<compile_context>
chip_gen: v7x
topology: tpu7x:2x2x1
jax: 0.10.2.dev20260603
libtpu: 0.0.44.dev20260713+nightly
codegen_flags: <defaults>
</compile_context>

<pallas_src>
import functools

import jax
import jax.numpy as jnp
from jax import lax
from jax.experimental import pallas as pl
from jax.experimental.pallas import tpu as pltpu, tpu_sc as plsc

NELEM = 1_000_000
NUM_IDS = 16_384
NUM_REGIONS_PAD = 64
NC, NS, L = 2, 16, 16
NW = NC * NS
NSUB = 4
SUB = 7_816
CHUNK = NSUB * SUB
SUB_LAST = NELEM - 31 * CHUNK - (NSUB - 1) * SUB
IDS_PER_TILE = NUM_IDS // NS
NKV = NUM_REGIONS_PAD // L

_MESH = plsc.VectorSubcoreMesh(core_axis_name="c", subcore_axis_name="s")


@functools.partial(
    pl.kernel,
    out_type=jax.ShapeDtypeStruct((NELEM,), jnp.float32),
    mesh=_MESH,
    scratch_types=[
        pltpu.VMEM((CHUNK,), jnp.float32),
        pltpu.VMEM((IDS_PER_TILE,), jnp.int32),
        pltpu.VMEM((NUM_REGIONS_PAD,), jnp.int32),
        pltpu.VMEM((NS, NUM_REGIONS_PAD), jnp.int32),
        pltpu.VMEM((NUM_REGIONS_PAD,), jnp.int32),
        pltpu.VMEM((L,), jnp.float32),
        pltpu.VMEM_SHARED((NS, NUM_REGIONS_PAD), jnp.int32),
        pltpu.SemaphoreType.DMA,
        pltpu.SemaphoreType.DMA,
        pltpu.SemaphoreType.DMA,
    ],
    compiler_params=pltpu.CompilerParams(needs_layout_passes=False),
)
def _region_set_kernel(ids_hbm, eir_hbm, val_hbm, prop_hbm, out_hbm,
                       vbuf, ids_v, hits_v, allhits_v, eir_v, val_v,
                       sh_hits, in_sem, out_sem, cfg_sem):
    c = lax.axis_index("c")
    s = lax.axis_index("s")
    wid = s * NC + c
    base = pl.multiple_of(wid * CHUNK, 8)
    last = wid == NW - 1

    def in_copy(j, sub=SUB):
        return pltpu.make_async_copy(
            prop_hbm.at[pl.ds(base + j * SUB, sub)],
            vbuf.at[pl.ds(j * SUB, sub)], in_sem)

    def out_copy(j, sub=SUB):
        return pltpu.make_async_copy(
            vbuf.at[pl.ds(j * SUB, sub)],
            out_hbm.at[pl.ds(base + j * SUB, sub)], out_sem)

    def branch_last(fn):
        @pl.when(jnp.logical_not(last))
        def _():
            fn(SUB)

        @pl.when(last)
        def _():
            fn(SUB_LAST)

    ids_cp = pltpu.make_async_copy(
        ids_hbm.at[pl.ds(s * IDS_PER_TILE, IDS_PER_TILE)], ids_v, cfg_sem)
    eir_cp = pltpu.make_async_copy(eir_hbm, eir_v, cfg_sem)
    val_cp = pltpu.make_async_copy(val_hbm, val_v, cfg_sem)
    ids_cp.start()
    eir_cp.start()
    val_cp.start()

    for j in range(NSUB - 1):
        in_copy(j).start()
    branch_last(lambda sub: in_copy(NSUB - 1, sub).start())

    ids_cp.wait()
    eir_cp.wait()
    val_cp.wait()

    ts = [eir_v[pl.ds(k * L, L)] for k in range(NKV)]
    chunk_end = base + jnp.where(last, (NSUB - 1) * SUB + SUB_LAST, CHUNK)

    def sub_bounds(j):
        sb = base + j * SUB
        se = jnp.minimum(sb + SUB, chunk_end)
        return sb, se

    zero16 = jnp.zeros((L,), jnp.int32)
    one16 = jnp.full((L,), 1, jnp.int32)
    for k in range(NKV):
        hits_v[pl.ds(k * L, L)] = zero16
    for k in range(IDS_PER_TILE // L):
        idv = ids_v[pl.ds(k * L, L)]
        plsc.store_scatter(hits_v, [idv], one16)
    pltpu.sync_copy(hits_v, sh_hits.at[s])

    plsc.subcore_barrier()
    pltpu.sync_copy(sh_hits, allhits_v)
    hit = []
    for k in range(NKV):
        h = allhits_v[0, pl.ds(k * L, L)]
        for r in range(1, NS):
            h = jnp.maximum(h, allhits_v[r, pl.ds(k * L, L)])
        hit.append(h)

    vval = val_v[...]

    def patch(j):
        sb, se = sub_bounds(j)
        for k in range(NKV):
            m = (hit[k] > 0) & (ts[k] >= sb) & (ts[k] < se)
            local = jnp.where(m, ts[k] - base, 0)
            plsc.store_scatter(vbuf, [local], vval, mask=m)

    for j in range(NSUB - 1):
        in_copy(j).wait()
        patch(j)
        out_copy(j).start()

    def drain_last(sub):
        in_copy(NSUB - 1, sub).wait()
        patch(NSUB - 1)
        out_copy(NSUB - 1, sub).start()

    branch_last(drain_last)

    for j in range(NSUB - 1):
        out_copy(j).wait()
    branch_last(lambda sub: out_copy(NSUB - 1, sub).wait())


def kernel(el_ids, property_values, elements_in_region, value):
    ids = el_ids.astype(jnp.int32)
    eir_p = jnp.pad(elements_in_region.astype(jnp.int32),
                    (0, NUM_REGIONS_PAD - elements_in_region.shape[0]),
                    constant_values=-1)
    val16 = jnp.broadcast_to(jnp.asarray(value, jnp.float32), (L,))
    return _region_set_kernel(ids, eir_p, val16, property_values)

# --- scband reference (transcript-rebuilt; emitter-appended) ---
"""Pipeline reference for scband-region-l2-nn-80805514707678 (READ-ONLY COPY).

The authoritative reference and input builder live on the scoring server;
editing this copy changes nothing except your own understanding.
"""

import jax, jax.numpy as jnp
import numpy as np

REGION = [0,19997,39994,59991,79988,99985,119982,139979,159976,179973,199970,219967,239964,259961,279958,299955,319952,339949,359946,379943,399940,419937,439934,459931,479928,499925,519922,539919,559916,579913,599910,619907,639904,659901,679898,699895,719892,739889,759886,779883,799880,819877,839874,859871,879868,899865,919862,939859,959856,979853]
NELEM = 1000000


def setup_inputs(seed: int = 0) -> dict:
    key = jax.random.key(seed)
    k1, k2 = jax.random.split(key)
    el_ids = jax.random.randint(k1, (16384,), 0, len(REGION))
    property_values = jax.random.normal(k2, (NELEM,), dtype=jnp.float32)
    elements_in_region = jnp.array(REGION, dtype=jnp.int32)
    value = jnp.asarray(1.0, dtype=jnp.float32)
    return {"el_ids": el_ids, "property_values": property_values, "elements_in_region": elements_in_region, "value": value}


def reference(el_ids, property_values, elements_in_region, value):
    # property_values[self.elements_in_region[el_ids]] = self.value
    target_ids = jnp.take(elements_in_region, el_ids, axis=0)  # gather region->global element ids
    out = property_values.at[target_ids].set(value)            # scatter-overwrite learned scalar
    return out

if __name__ == "__main__":
    import jax
    _d = setup_inputs()
    print(jax.jit(kernel)(*tuple(_d.values())))

</pallas_src>

<mosaic_0001>
#map = affine_map<(d0, d1) -> (0)>
module attributes {stable_mosaic.version = 14 : i64} {
  func.func @_region_set_kernel(%arg0: i32, %arg1: i32, %arg2: memref<16384xi32, #tpu.memory_space<hbm>>, %arg3: memref<64xi32, #tpu.memory_space<hbm>>, %arg4: memref<16xf32, #tpu.memory_space<hbm>>, %arg5: memref<1000000xf32, #tpu.memory_space<hbm>>, %arg6: memref<1000000xf32, #tpu.memory_space<hbm>>, %arg7: memref<31264xf32, #tpu.memory_space<vmem>>, %arg8: memref<1024xi32, #tpu.memory_space<vmem>>, %arg9: memref<64xi32, #tpu.memory_space<vmem>>, %arg10: memref<16x64xi32, #tpu.memory_space<vmem>>, %arg11: memref<64xi32, #tpu.memory_space<vmem>>, %arg12: memref<16xf32, #tpu.memory_space<vmem>>, %arg13: memref<16x64xi32, #tpu.memory_space<vmem_shared>>, %arg14: memref<!tpu.dma_semaphore, #tpu.memory_space<semaphore_mem>>, %arg15: memref<!tpu.dma_semaphore, #tpu.memory_space<semaphore_mem>>, %arg16: memref<!tpu.dma_semaphore, #tpu.memory_space<semaphore_mem>>) attributes {dimension_semantics = [#tpu.dimension_semantics<core_parallel>, #tpu.dimension_semantics<subcore_parallel>], iteration_bounds = array<i64: 2, 16>, scalar_prefetch = 0 : i64, scratch_operands = 10 : i64, tpu.core_type = #tpu.core_type<sc_vector_subcore>, window_params = [{transform_indices = #map}, {transform_indices = #map}, {transform_indices = #map}, {transform_indices = #map}, {transform_indices = #map}]} {
    %mul3A = arith.constant 2 : i32
    %mul3A_0 = arith.muli %arg1, %mul3A : i32
    %add3A = arith.addi %mul3A_0, %arg0 : i32
    %mul3A_1 = arith.constant 31264 : i32
    %mul3A_2 = arith.muli %add3A, %mul3A_1 : i32
    %multiple_of3A = tpu.assume_multiple %mul3A_2, 8 : i32
    %eq3A = arith.constant 31 : i32
    %eq3A_3 = arith.cmpi eq, %add3A, %eq3A : i32
    %mul3A_4 = arith.constant 1024 : i32
    %mul3A_5 = arith.muli %arg1, %mul3A_4 : i32
    %dma_start3A = tpu.memref_slice %arg2[%mul3A_5] : memref<16384xi32, #tpu.memory_space<hbm>> -> memref<1024xi32, #tpu.memory_space<hbm>>
    %dma_start3A_6 = tpu.memref_slice %arg2[%mul3A_5] : memref<16384xi32, #tpu.memory_space<hbm>> -> memref<1024xi32, #tpu.memory_space<hbm>>
    tpu.enqueue_dma source(%dma_start3A_6 : memref<1024xi32, #tpu.memory_space<hbm>>) target(%arg8 : memref<1024xi32, #tpu.memory_space<vmem>>) target_semaphore(%arg16 : memref<!tpu.dma_semaphore, #tpu.memory_space<semaphore_mem>>)
    tpu.enqueue_dma source(%arg3 : memref<64xi32, #tpu.memory_space<hbm>>) target(%arg11 : memref<64xi32, #tpu.memory_space<vmem>>) target_semaphore(%arg16 : memref<!tpu.dma_semaphore, #tpu.memory_space<semaphore_mem>>)
    tpu.enqueue_dma source(%arg4 : memref<16xf32, #tpu.memory_space<hbm>>) target(%arg12 : memref<16xf32, #tpu.memory_space<vmem>>) target_semaphore(%arg16 : memref<!tpu.dma_semaphore, #tpu.memory_space<semaphore_mem>>)
    %add3A_7 = arith.constant 0 : i32
    %add3A_8 = arith.addi %multiple_of3A, %add3A_7 : i32
    %dma_start3A_9 = arith.constant 0 : i32
    %dma_start3A_10 = tpu.memref_slice %arg7[%dma_start3A_9] : memref<31264xf32, #tpu.memory_space<vmem>> -> memref<7816xf32, #tpu.memory_space<vmem>>
    %dma_start3A_11 = tpu.memref_slice %arg5[%add3A_8] : memref<1000000xf32, #tpu.memory_space<hbm>> -> memref<7816xf32, #tpu.memory_space<hbm>>
    %dma_start3A_12 = arith.constant 0 : i32
    %dma_start3A_13 = tpu.memref_slice %arg7[%dma_start3A_12] : memref<31264xf32, #tpu.memory_space<vmem>> -> memref<7816xf32, #tpu.memory_space<vmem>>
    %dma_start3A_14 = tpu.memref_slice %arg5[%add3A_8] : memref<1000000xf32, #tpu.memory_space<hbm>> -> memref<7816xf32, #tpu.memory_space<hbm>>
    tpu.enqueue_dma source(%dma_start3A_14 : memref<7816xf32, #tpu.memory_space<hbm>>) target(%dma_start3A_13 : memref<7816xf32, #tpu.memory_space<vmem>>) target_semaphore(%arg14 : memref<!tpu.dma_semaphore, #tpu.memory_space<semaphore_mem>>)
    %add3A_15 = arith.constant 7816 : i32
    %add3A_16 = arith.addi %multiple_of3A, %add3A_15 : i32
    %dma_start3A_17 = arith.constant 7816 : i32
    %dma_start3A_18 = tpu.memref_slice %arg7[%dma_start3A_17] : memref<31264xf32, #tpu.memory_space<vmem>> -> memref<7816xf32, #tpu.memory_space<vmem>>
    %dma_start3A_19 = tpu.memref_slice %arg5[%add3A_16] : memref<1000000xf32, #tpu.memory_space<hbm>> -> memref<7816xf32, #tpu.memory_space<hbm>>
    %dma_start3A_20 = arith.constant 7816 : i32
    %dma_start3A_21 = tpu.memref_slice %arg7[%dma_start3A_20] : memref<31264xf32, #tpu.memory_space<vmem>> -> memref<7816xf32, #tpu.memory_space<vmem>>
    %dma_start3A_22 = tpu.memref_slice %arg5[%add3A_16] : memref<1000000xf32, #tpu.memory_space<hbm>> -> memref<7816xf32, #tpu.memory_space<hbm>>
    tpu.enqueue_dma source(%dma_start3A_22 : memref<7816xf32, #tpu.memory_space<hbm>>) target(%dma_start3A_21 : memref<7816xf32, #tpu.memory_space<vmem>>) target_semaphore(%arg14 : memref<!tpu.dma_semaphore, #tpu.memory_space<semaphore_mem>>)
    %add3A_23 = arith.constant 15632 : i32
    %add3A_24 = arith.addi %multiple_of3A, %add3A_23 : i32
    %dma_start3A_25 = arith.constant 15632 : i32
    %dma_start3A_26 = tpu.memref_slice %arg7[%dma_start3A_25] : memref<31264xf32, #tpu.memory_space<vmem>> -> memref<7816xf32, #tpu.memory_space<vmem>>
    %dma_start3A_27 = tpu.memref_slice %arg5[%add3A_24] : memref<1000000xf32, #tpu.memory_space<hbm>> -> memref<7816xf32, #tpu.memory_space<hbm>>
    %dma_start3A_28 = arith.constant 15632 : i32
    %dma_start3A_29 = tpu.memref_slice %arg7[%dma_start3A_28] : memref<31264xf32, #tpu.memory_space<vmem>> -> memref<7816xf32, #tpu.memory_space<vmem>>
    %dma_start3A_30 = tpu.memref_slice %arg5[%add3A_24] : memref<1000000xf32, #tpu.memory_space<hbm>> -> memref<7816xf32, #tpu.memory_space<hbm>>
    tpu.enqueue_dma source(%dma_start3A_30 : memref<7816xf32, #tpu.memory_space<hbm>>) target(%dma_start3A_29 : memref<7816xf32, #tpu.memory_space<vmem>>) target_semaphore(%arg14 : memref<!tpu.dma_semaphore, #tpu.memory_space<semaphore_mem>>)
    %not3A = arith.constant true
    %not3A_31 = arith.xori %eq3A_3, %not3A : i1
    %convert_element_type3A = arith.extui %not3A_31 : i1 to i32
    %cond3A = arith.constant 0 : i32
    %cond3A_32 = arith.cmpi ne, %convert_element_type3A, %cond3A : i32
    scf.if %cond3A_32 {
      %add3A_766 = arith.constant 23448 : i32
      %add3A_767 = arith.addi %multiple_of3A, %add3A_766 : i32
      %dma_start3A_768 = arith.constant 23448 : i32
      %dma_start3A_769 = tpu.memref_slice %arg7[%dma_start3A_768] : memref<31264xf32, #tpu.memory_space<vmem>> -> memref<7816xf32, #tpu.memory_space<vmem>>
      %dma_start3A_770 = tpu.memref_slice %arg5[%add3A_767] : memref<1000000xf32, #tpu.memory_space<hbm>> -> memref<7816xf32, #tpu.memory_space<hbm>>
      %dma_start3A_771 = arith.constant 23448 : i32
      %dma_start3A_772 = tpu.memref_slice %arg7[%dma_start3A_771] : memref<31264xf32, #tpu.memory_space<vmem>> -> memref<7816xf32, #tpu.memory_space<vmem>>
      %dma_start3A_773 = tpu.memref_slice %arg5[%add3A_767] : memref<1000000xf32, #tpu.memory_space<hbm>> -> memref<7816xf32, #tpu.memory_space<hbm>>
      tpu.enqueue_dma source(%dma_start3A_773 : memref<7816xf32, #tpu.memory_space<hbm>>) target(%dma_start3A_772 : memref<7816xf32, #tpu.memory_space<vmem>>) target_semaphore(%arg14 : memref<!tpu.dma_semaphore, #tpu.memory_space<semaphore_mem>>)
    } else {
    }
    %convert_element_type3A_33 = arith.extui %eq3A_3 : i1 to i32
    %cond3A_34 = arith.constant 0 : i32
    %cond3A_35 = arith.cmpi ne, %convert_element_type3A_33, %cond3A_34 : i32
    scf.if %cond3A_35 {
      %add3A_766 = arith.constant 23448 : i32
      %add3A_767 = arith.addi %multiple_of3A, %add3A_766 : i32
      %dma_start3A_768 = arith.constant 23448 : i32
      %dma_start3A_769 = tpu.memref_slice %arg7[%dma_start3A_768] : memref<31264xf32, #tpu.memory_space<vmem>> -> memref<7368xf32, #tpu.memory_space<vmem>>
      %dma_start3A_770 = tpu.memref_slice %arg5[%add3A_767] : memref<1000000xf32, #tpu.memory_space<hbm>> -> memref<7368xf32, #tpu.memory_space<hbm>>
      %dma_start3A_771 = arith.constant 23448 : i32
      %dma_start3A_772 = tpu.memref_slice %arg7[%dma_start3A_771] : memref<31264xf32, #tpu.memory_space<vmem>> -> memref<7368xf32, #tpu.memory_space<vmem>>
      %dma_start3A_773 = tpu.memref_slice %arg5[%add3A_767] : memref<1000000xf32, #tpu.memory_space<hbm>> -> memref<7368xf32, #tpu.memory_space<hbm>>
      tpu.enqueue_dma source(%dma_start3A_773 : memref<7368xf32, #tpu.memory_space<hbm>>) target(%dma_start3A_772 : memref<7368xf32, #tpu.memory_space<vmem>>) target_semaphore(%arg14 : memref<!tpu.dma_semaphore, #tpu.memory_space<semaphore_mem>>)
    } else {
    }
    %dma_wait3A = tpu.memref_slice %arg2[%mul3A_5] : memref<16384xi32, #tpu.memory_space<hbm>> -> memref<1024xi32, #tpu.memory_space<hbm>>
    %dma_wait3A_36 = tpu.memref_slice %arg2[%mul3A_5] : memref<16384xi32, #tpu.memory_space<hbm>> -> memref<1024xi32, #tpu.memory_space<hbm>>
    tpu.wait_dma2 semaphore(%arg16 : memref<!tpu.dma_semaphore, #tpu.memory_space<semaphore_mem>>) src(%dma_wait3A_36 : memref<1024xi32, #tpu.memory_space<hbm>>) dst(%arg8 : memref<1024xi32, #tpu.memory_space<vmem>>)
    tpu.wait_dma2 semaphore(%arg16 : memref<!tpu.dma_semaphore, #tpu.memory_space<semaphore_mem>>) src(%arg3 : memref<64xi32, #tpu.memory_space<hbm>>) dst(%arg11 : memref<64xi32, #tpu.memory_space<vmem>>)
    tpu.wait_dma2 semaphore(%arg16 : memref<!tpu.dma_semaphore, #tpu.memory_space<semaphore_mem>>) src(%arg4 : memref<16xf32, #tpu.memory_space<hbm>>) dst(%arg12 : memref<16xf32, #tpu.memory_space<vmem>>)
    %get3A = arith.constant 0 : index
    %get3A_37 = tpu.vector_load %arg11[%get3A] {strides = array<i32>} : memref<64xi32, #tpu.memory_space<vmem>>, vector<16xi32>,
    %get3A_38 = arith.constant 16 : index
    %get3A_39 = tpu.vector_load %arg11[%get3A_38] {strides = array<i32>} : memref<64xi32, #tpu.memory_space<vmem>>, vector<16xi32>,
    %get3A_40 = arith.constant 32 : index
    %get3A_41 = tpu.vector_load %arg11[%get3A_40] {strides = array<i32>} : memref<64xi32, #tpu.memory_space<vmem>>, vector<16xi32>,
    %get3A_42 = arith.constant 48 : index
    %get3A_43 = tpu.vector_load %arg11[%get3A_42] {strides = array<i32>} : memref<64xi32, #tpu.memory_space<vmem>>, vector<16xi32>,
    %jit3A = arith.constant 30816 : i32
    %jit3A_44 = arith.constant 31264 : i32
    %select_n3A = arith.select %eq3A_3, %jit3A, %jit3A_44 : i32
    %add3A_45 = arith.addi %multiple_of3A, %select_n3A : i32
    %broadcast_in_dim3A = arith.constant 0 : i32
    %broadcast_in_dim3A_46 = vector.broadcast %broadcast_in_dim3A : i32 to vector<16xi32>
    %broadcast_in_dim3A_47 = arith.constant 1 : i32
    %broadcast_in_dim3A_48 = vector.broadcast %broadcast_in_dim3A_47 : i32 to vector<16xi32>
    %swap3A = arith.constant 0 : index
    %swap3A_49 = tpu.vector_load %arg9[%swap3A] {strides = array<i32>} : memref<64xi32, #tpu.memory_space<vmem>>, vector<16xi32>,
    tpu.vector_store %arg9[%swap3A], %broadcast_in_dim3A_46 {strides = array<i32>} : memref<64xi32, #tpu.memory_space<vmem>>, vector<16xi32>,
    %swap3A_50 = arith.constant 16 : index
    %swap3A_51 = tpu.vector_load %arg9[%swap3A_50] {strides = array<i32>} : memref<64xi32, #tpu.memory_space<vmem>>, vector<16xi32>,
    tpu.vector_store %arg9[%swap3A_50], %broadcast_in_dim3A_46 {strides = array<i32>} : memref<64xi32, #tpu.memory_space<vmem>>, vector<16xi32>,
    %swap3A_52 = arith.constant 32 : index
    %swap3A_53 = tpu.vector_load %arg9[%swap3A_52] {strides = array<i32>} : memref<64xi32, #tpu.memory_space<vmem>>, vector<16xi32>,
    tpu.vector_store %arg9[%swap3A_52], %broadcast_in_dim3A_46 {strides = array<i32>} : memref<64xi32, #tpu.memory_space<vmem>>, vector<16xi32>,
    %swap3A_54 = arith.constant 48 : index
    %swap3A_55 = tpu.vector_load %arg9[%swap3A_54] {strides = array<i32>} : memref<64xi32, #tpu.memory_space<vmem>>, vector<16xi32>,
    tpu.vector_store %arg9[%swap3A_54], %broadcast_in_dim3A_46 {strides = array<i32>} : memref<64xi32, #tpu.memory_space<vmem>>, vector<16xi32>,
    %get3A_56 = arith.constant 0 : index
    %get3A_57 = tpu.vector_load %arg8[%get3A_56] {strides = array<i32>} : memref<1024xi32, #tpu.memory_space<vmem>>, vector<16xi32>,
    tpu.vector_store_idx %arg9[%get3A_57], %broadcast_in_dim3A_48 : memref<64xi32, #tpu.memory_space<vmem>>[vector<16xi32>], vector<16xi32>,
    %get3A_58 = arith.constant 16 : index
    %get3A_59 = tpu.vector_load %arg8[%get3A_58] {strides = array<i32>} : memref<1024xi32, #tpu.memory_space<vmem>>, vector<16xi32>,
    tpu.vector_store_idx %arg9[%get3A_59], %broadcast_in_dim3A_48 : memref<64xi32, #tpu.memory_space<vmem>>[vector<16xi32>], vector<16xi32>,
    %get3A_60 = arith.constant 32 : index
    %get3A_61 = tpu.vector_load %arg8[%get3A_60] {strides = array<i32>} : memref<1024xi32, #tpu.memory_space<vmem>>, vector<16xi32>,
    tpu.vector_store_idx %arg9[%get3A_61], %broadcast_in_dim3A_48 : memref<64xi32, #tpu.memory_space<vmem>>[vector<16xi32>], vector<16xi32>,
    %get3A_62 = arith.constant 48 : index
    %get3A_63 = tpu.vector_load %arg8[%get3A_62] {strides = array<i32>} : memref<1024xi32, #tpu.memory_space<vmem>>, vector<16xi32>,
    tpu.vector_store_idx %arg9[%get3A_63], %broadcast_in_dim3A_48 : memref<64xi32, #tpu.memory_space<vmem>>[vector<16xi32>], vector<16xi32>,
    %get3A_64 = arith.constant 64 : index
    %get3A_65 = tpu.vector_load %arg8[%get3A_64] {strides = array<i32>} : memref<1024xi32, #tpu.memory_space<vmem>>, vector<16xi32>,
    tpu.vector_store_idx %arg9[%get3A_65], %broadcast_in_dim3A_48 : memref<64xi32, #tpu.memory_space<vmem>>[vector<16xi32>], vector<16xi32>,
    %get3A_66 = arith.constant 80 : index
    %get3A_67 = tpu.vector_load %arg8[%get3A_66] {strides = array<i32>} : memref<1024xi32, #tpu.memory_space<vmem>>, vector<16xi32>,
    tpu.vector_store_idx %arg9[%get3A_67], %broadcast_in_dim3A_48 : memref<64xi32, #tpu.memory_space<vmem>>[vector<16xi32>], vector<16xi32>,
    %get3A_68 = arith.constant 96 : index
    %get3A_69 = tpu.vector_load %arg8[%get3A_68] {strides = array<i32>} : memref<1024xi32, #tpu.memory_space<vmem>>, vector<16xi32>,
    tpu.vector_store_idx %arg9[%get3A_69], %broadcast_in_dim3A_48 : memref<64xi32, #tpu.memory_space<vmem>>[vector<16xi32>], vector<16xi32>,
    %get3A_70 = arith.constant 112 : index
    %get3A_71 = tpu.vector_load %arg8[%get3A_70] {strides = array<i32>} : memref<1024xi32, #tpu.memory_space<vmem>>, vector<16xi32>,
    tpu.vector_store_idx %arg9[%get3A_71], %broadcast_in_dim3A_48 : memref<64xi32, #tpu.memory_space<vmem>>[vector<16xi32>], vector<16xi32>,
    %get3A_72 = arith.constant 128 : index
    %get3A_73 = tpu.vector_load %arg8[%get3A_72] {strides = array<i32>} : memref<1024xi32, #tpu.memory_space<vmem>>, vector<16xi32>,
    tpu.vector_store_idx %arg9[%get3A_73], %broadcast_in_dim3A_48 : memref<64xi32, #tpu.memory_space<vmem>>[vector<16xi32>], vector<16xi32>,
    %get3A_74 = arith.constant 144 : index
    %get3A_75 = tpu.vector_load %arg8[%get3A_74] {strides = array<i32>} : memref<1024xi32, #tpu.memory_space<vmem>>, vector<16xi32>,
    tpu.vector_store_idx %arg9[%get3A_75], %broadcast_in_dim3A_48 : memref<64xi32, #tpu.memory_space<vmem>>[vector<16xi32>], vector<16xi32>,
    %get3A_76 = arith.constant 160 : index
    %get3A_77 = tpu.vector_load %arg8[%get3A_76] {strides = array<i32>} : memref<1024xi32, #tpu.memory_space<vmem>>, vector<16xi32>,
    tpu.vector_store_idx %arg9[%get3A_77], %broadcast_in_dim3A_48 : memref<64xi32, #tpu.memory_space<vmem>>[vector<16xi32>], vector<16xi32>,
    %get3A_78 = arith.constant 176 : index
    %get3A_79 = tpu.vector_load %arg8[%get3A_78] {strides = array<i32>} : memref<1024xi32, #tpu.memory_space<vmem>>, vector<16xi32>,
    tpu.vector_store_idx %arg9[%get3A_79], %broadcast_in_dim3A_48 : memref<64xi32, #tpu.memory_space<vmem>>[vector<16xi32>], vector<16xi32>,
    %get3A_80 = arith.constant 192 : index
    %get3A_81 = tpu.vector_load %arg8[%get3A_80] {strides = array<i32>} : memref<1024xi32, #tpu.memory_space<vmem>>, vector<16xi32>,
    tpu.vector_store_idx %arg9[%get3A_81], %broadcast_in_dim3A_48 : memref<64xi32, #tpu.memory_space<vmem>>[vector<16xi32>], vector<16xi32>,
    %get3A_82 = arith.constant 208 : index
    %get3A_83 = tpu.vector_load %arg8[%get3A_82] {strides = array<i32>} : memref<1024xi32, #tpu.memory_space<vmem>>, vector<16xi32>,
    tpu.vector_store_idx %arg9[%get3A_83], %broadcast_in_dim3A_48 : memref<64xi32, #tpu.memory_space<vmem>>[vector<16xi32>], vector<16xi32>,
    %get3A_84 = arith.constant 224 : index
    %get3A_85 = tpu.vector_load %arg8[%get3A_84] {strides = array<i32>} : memref<1024xi32, #tpu.memory_space<vmem>>, vector<16xi32>,
    tpu.vector_store_idx %arg9[%get3A_85], %broadcast_in_dim3A_48 : memref<64xi32, #tpu.memory_space<vmem>>[vector<16xi32>], vector<16xi32>,
    %get3A_86 = arith.constant 240 : index
    %get3A_87 = tpu.vector_load %arg8[%get3A_86] {strides = array<i32>} : memref<1024xi32, #tpu.memory_space<vmem>>, vector<16xi32>,
    tpu.vector_store_idx %arg9[%get3A_87], %broadcast_in_dim3A_48 : memref<64xi32, #tpu.memory_space<vmem>>[vector<16xi32>], vector<16xi32>,
    %get3A_88 = arith.constant 256 : index
    %get3A_89 = tpu.vector_load %arg8[%get3A_88] {strides = array<i32>} : memref<1024xi32, #tpu.memory_space<vmem>>, vector<16xi32>,
    tpu.vector_store_idx %arg9[%get3A_89], %broadcast_in_dim3A_48 : memref<64xi32, #tpu.memory_space<vmem>>[vector<16xi32>], vector<16xi32>,
    %get3A_90 = arith.constant 272 : index
    %get3A_91 = tpu.vector_load %arg8[%get3A_90] {strides = array<i32>} : memref<1024xi32, #tpu.memory_space<vmem>>, vector<16xi32>,
    tpu.vector_store_idx %arg9[%get3A_91], %broadcast_in_dim3A_48 : memref<64xi32, #tpu.memory_space<vmem>>[vector<16xi32>], vector<16xi32>,
    %get3A_92 = arith.constant 288 : index
    %get3A_93 = tpu.vector_load %arg8[%get3A_92] {strides = array<i32>} : memref<1024xi32, #tpu.memory_space<vmem>>, vector<16xi32>,
    tpu.vector_store_idx %arg9[%get3A_93], %broadcast_in_dim3A_48 : memref<64xi32, #tpu.memory_space<vmem>>[vector<16xi32>], vector<16xi32>,
    %get3A_94 = arith.constant 304 : index
    %get3A_95 = tpu.vector_load %arg8[%get3A_94] {strides = array<i32>} : memref<1024xi32, #tpu.memory_space<vmem>>, vector<16xi32>,
    tpu.vector_store_idx %arg9[%get3A_95], %broadcast_in_dim3A_48 : memref<64xi32, #tpu.memory_space<vmem>>[vector<16xi32>], vector<16xi32>,
    %get3A_96 = arith.constant 320 : index
    %get3A_97 = tpu.vector_load %arg8[%get3A_96] {strides = array<i32>} : memref<1024xi32, #tpu.memory_space<vmem>>, vector<16xi32>,
    tpu.vector_store_idx %arg9[%get3A_97], %broadcast_in_dim3A_48 : memref<64xi32, #tpu.memory_space<vmem>>[vector<16xi32>], vector<16xi32>,
    %get3A_98 = arith.constant 336 : index
    %get3A_99 = tpu.vector_load %arg8[%get3A_98] {strides = array<i32>} : memref<1024xi32, #tpu.memory_space<vmem>>, vector<16xi32>,
    tpu.vector_store_idx %arg9[%get3A_99], %broadcast_in_dim3A_48 : memref<64xi32, #tpu.memory_space<vmem>>[vector<16xi32>], vector<16xi32>,
    %get3A_100 = arith.constant 352 : index
    %get3A_101 = tpu.vector_load %arg8[%get3A_100] {strides = array<i32>} : memref<1024xi32, #tpu.memory_space<vmem>>, vector<16xi32>,
    tpu.vector_store_idx %arg9[%get3A_101], %broadcast_in_dim3A_48 : memref<64xi32, #tpu.memory_space<vmem>>[vector<16xi32>], vector<16xi32>,
    %get3A_102 = arith.constant 368 : index
    %get3A_103 = tpu.vector_load %arg8[%get3A_102] {strides = array<i32>} : memref<1024xi32, #tpu.memory_space<vmem>>, vector<16xi32>,
    tpu.vector_store_idx %arg9[%get3A_103], %broadcast_in_dim3A_48 : memref<64xi32, #tpu.memory_space<vmem>>[vector<16xi32>], vector<16xi32>,
    %get3A_104 = arith.constant 384 : index
    %get3A_105 = tpu.vector_load %arg8[%get3A_104] {strides = array<i32>} : memref<1024xi32, #tpu.memory_space<vmem>>, vector<16xi32>,
    tpu.vector_store_idx %arg9[%get3A_105], %broadcast_in_dim3A_48 : memref<64xi32, #tpu.memory_space<vmem>>[vector<16xi32>], vector<16xi32>,
    %get3A_106 = arith.constant 400 : index
    %get3A_107 = tpu.vector_load %arg8[%get3A_106] {strides = array<i32>} : memref<1024xi32, #tpu.memory_space<vmem>>, vector<16xi32>,
    tpu.vector_store_idx %arg9[%get3A_107], %broadcast_in_dim3A_48 : memref<64xi32, #tpu.memory_space<vmem>>[vector<16xi32>], vector<16xi32>,
    %get3A_108 = arith.constant 416 : index
    %get3A_109 = tpu.vector_load %arg8[%get3A_108] {strides = array<i32>} : memref<1024xi32, #tpu.memory_space<vmem>>, vector<16xi32>,
    tpu.vector_store_idx %arg9[%get3A_109], %broadcast_in_dim3A_48 : memref<64xi32, #tpu.memory_space<vmem>>[vector<16xi32>], vector<16xi32>,
    %get3A_110 = arith.constant 432 : index
    %get3A_111 = tpu.vector_load %arg8[%get3A_110] {strides = array<i32>} : memref<1024xi32, #tpu.memory_space<vmem>>, vector<16xi32>,
    tpu.vector_store_idx %arg9[%get3A_111], %broadcast_in_dim3A_48 : memref<64xi32, #tpu.memory_space<vmem>>[vector<16xi32>], vector<16xi32>,
    %get3A_112 = arith.constant 448 : index
    %get3A_113 = tpu.vector_load %arg8[%get3A_112] {strides = array<i32>} : memref<1024xi32, #tpu.memory_space<vmem>>, vector<16xi32>,
    tpu.vector_store_idx %arg9[%get3A_113], %broadcast_in_dim3A_48 : memref<64xi32, #tpu.memory_space<vmem>>[vector<16xi32>], vector<16xi32>,
    %get3A_114 = arith.constant 464 : index
    %get3A_115 = tpu.vector_load %arg8[%get3A_114] {strides = array<i32>} : memref<1024xi32, #tpu.memory_space<vmem>>, vector<16xi32>,
    tpu.vector_store_idx %arg9[%get3A_115], %broadcast_in_dim3A_48 : memref<64xi32, #tpu.memory_space<vmem>>[vector<16xi32>], vector<16xi32>,
    %get3A_116 = arith.constant 480 : index
    %get3A_117 = tpu.vector_load %arg8[%get3A_116] {strides = array<i32>} : memref<1024xi32, #tpu.memory_space<vmem>>, vector<16xi32>,
    tpu.vector_store_idx %arg9[%get3A_117], %broadcast_in_dim3A_48 : memref<64xi32, #tpu.memory_space<vmem>>[vector<16xi32>], vector<16xi32>,
    %get3A_118 = arith.constant 496 : index
    %get3A_119 = tpu.vector_load %arg8[%get3A_118] {strides = array<i32>} : memref<1024xi32, #tpu.memory_space<vmem>>, vector<16xi32>,
    tpu.vector_store_idx %arg9[%get3A_119], %broadcast_in_dim3A_48 : memref<64xi32, #tpu.memory_space<vmem>>[vector<16xi32>], vector<16xi32>,
    %get3A_120 = arith.constant 512 : index
    %get3A_121 = tpu.vector_load %arg8[%get3A_120] {strides = array<i32>} : memref<1024xi32, #tpu.memory_space<vmem>>, vector<16xi32>,
    tpu.vector_store_idx %arg9[%get3A_121], %broadcast_in_dim3A_48 : memref<64xi32, #tpu.memory_space<vmem>>[vector<16xi32>], vector<16xi32>,
    %get3A_122 = arith.constant 528 : index
    %get3A_123 = tpu.vector_load %arg8[%get3A_122] {strides = array<i32>} : memref<1024xi32, #tpu.memory_space<vmem>>, vector<16xi32>,
    tpu.vector_store_idx %arg9[%get3A_123], %broadcast_in_dim3A_48 : memref<64xi32, #tpu.memory_space<vmem>>[vector<16xi32>], vector<16xi32>,
    %get3A_124 = arith.constant 544 : index
    %get3A_125 = tpu.vector_load %arg8[%get3A_124] {strides = array<i32>} : memref<1024xi32, #tpu.memory_space<vmem>>, vector<16xi32>,
    tpu.vector_store_idx %arg9[%get3A_125], %broadcast_in_dim3A_48 : memref<64xi32, #tpu.memory_space<vmem>>[vector<16xi32>], vector<16xi32>,
    %get3A_126 = arith.constant 560 : index
    %get3A_127 = tpu.vector_load %arg8[%get3A_126] {strides = array<i32>} : memref<1024xi32, #tpu.memory_space<vmem>>, vector<16xi32>,
    tpu.vector_store_idx %arg9[%get3A_127], %broadcast_in_dim3A_48 : memref<64xi32, #tpu.memory_space<vmem>>[vector<16xi32>], vector<16xi32>,
    %get3A_128 = arith.constant 576 : index
    %get3A_129 = tpu.vector_load %arg8[%get3A_128] {strides = array<i32>} : memref<1024xi32, #tpu.memory_space<vmem>>, vector<16xi32>,
    tpu.vector_store_idx %arg9[%get3A_129], %broadcast_in_dim3A_48 : memref<64xi32, #tpu.memory_space<vmem>>[vector<16xi32>], vector<16xi32>,
    %get3A_130 = arith.constant 592 : index
    %get3A_131 = tpu.vector_load %arg8[%get3A_130] {strides = array<i32>} : memref<1024xi32, #tpu.memory_space<vmem>>, vector<16xi32>,
    tpu.vector_store_idx %arg9[%get3A_131], %broadcast_in_dim3A_48 : memref<64xi32, #tpu.memory_space<vmem>>[vector<16xi32>], vector<16xi32>,
    %get3A_132 = arith.constant 608 : index
    %get3A_133 = tpu.vector_load %arg8[%get3A_132] {strides = array<i32>} : memref<1024xi32, #tpu.memory_space<vmem>>, vector<16xi32>,
    tpu.vector_store_idx %arg9[%get3A_133], %broadcast_in_dim3A_48 : memref<64xi32, #tpu.memory_space<vmem>>[vector<16xi32>], vector<16xi32>,
    %get3A_134 = arith.constant 624 : index
    %get3A_135 = tpu.vector_load %arg8[%get3A_134] {strides = array<i32>} : memref<1024xi32, #tpu.memory_space<vmem>>, vector<16xi32>,
    tpu.vector_store_idx %arg9[%get3A_135], %broadcast_in_dim3A_48 : memref<64xi32, #tpu.memory_space<vmem>>[vector<16xi32>], vector<16xi32>,
    %get3A_136 = arith.constant 640 : index
    %get3A_137 = tpu.vector_load %arg8[%get3A_136] {strides = array<i32>} : memref<1024xi32, #tpu.memory_space<vmem>>, vector<16xi32>,
    tpu.vector_store_idx %arg9[%get3A_137], %broadcast_in_dim3A_48 : memref<64xi32, #tpu.memory_space<vmem>>[vector<16xi32>], vector<16xi32>,
    %get3A_138 = arith.constant 656 : index
    %get3A_139 = tpu.vector_load %arg8[%get3A_138] {strides = array<i32>} : memref<1024xi32, #tpu.memory_space<vmem>>, vector<16xi32>,
    tpu.vector_store_idx %arg9[%get3A_139], %broadcast_in_dim3A_48 : memref<64xi32, #tpu.memory_space<vmem>>[vector<16xi32>], vector<16xi32>,
    %get3A_140 = arith.constant 672 : index
    %get3A_141 = tpu.vector_load %arg8[%get3A_140] {strides = array<i32>} : memref<1024xi32, #tpu.memory_space<vmem>>, vector<16xi32>,
    tpu.vector_store_idx %arg9[%get3A_141], %broadcast_in_dim3A_48 : memref<64xi32, #tpu.memory_space<vmem>>[vector<16xi32>], vector<16xi32>,
    %get3A_142 = arith.constant 688 : index
    %get3A_143 = tpu.vector_load %arg8[%get3A_142] {strides = array<i32>} : memref<1024xi32, #tpu.memory_space<vmem>>, vector<16xi32>,
    tpu.vector_store_idx %arg9[%get3A_143], %broadcast_in_dim3A_48 : memref<64xi32, #tpu.memory_space<vmem>>[vector<16xi32>], vector<16xi32>,
    %get3A_144 = arith.constant 704 : index
    %get3A_145 = tpu.vector_load %arg8[%get3A_144] {strides = array<i32>} : memref<1024xi32, #tpu.memory_space<vmem>>, vector<16xi32>,
    tpu.vector_store_idx %arg9[%get3A_145], %broadcast_in_dim3A_48 : memref<64xi32, #tpu.memory_space<vmem>>[vector<16xi32>], vector<16xi32>,
    %get3A_146 = arith.constant 720 : index
    %get3A_147 = tpu.vector_load %arg8[%get3A_146] {strides = array<i32>} : memref<1024xi32, #tpu.memory_space<vmem>>, vector<16xi32>,
    tpu.vector_store_idx %arg9[%get3A_147], %broadcast_in_dim3A_48 : memref<64xi32, #tpu.memory_space<vmem>>[vector<16xi32>], vector<16xi32>,
    %get3A_148 = arith.constant 736 : index
    %get3A_149 = tpu.vector_load %arg8[%get3A_148] {strides = array<i32>} : memref<1024xi32, #tpu.memory_space<vmem>>, vector<16xi32>,
    tpu.vector_store_idx %arg9[%get3A_149], %broadcast_in_dim3A_48 : memref<64xi32, #tpu.memory_space<vmem>>[vector<16xi32>], vector<16xi32>,
    %get3A_150 = arith.constant 752 : index
    %get3A_151 = tpu.vector_load %arg8[%get3A_150] {strides = array<i32>} : memref<1024xi32, #tpu.memory_space<vmem>>, vector<16xi32>,
    tpu.vector_store_idx %arg9[%get3A_151], %broadcast_in_dim3A_48 : memref<64xi32, #tpu.memory_space<vmem>>[vector<16xi32>], vector<16xi32>,
    %get3A_152 = arith.constant 768 : index
    %get3A_153 = tpu.vector_load %arg8[%get3A_152] {strides = array<i32>} : memref<1024xi32, #tpu.memory_space<vmem>>, vector<16xi32>,
    tpu.vector_store_idx %arg9[%get3A_153], %broadcast_in_dim3A_48 : memref<64xi32, #tpu.memory_space<vmem>>[vector<16xi32>], vector<16xi32>,
    %get3A_154 = arith.constant 784 : index
    %get3A_155 = tpu.vector_load %arg8[%get3A_154] {strides = array<i32>} : memref<1024xi32, #tpu.memory_space<vmem>>, vector<16xi32>,
    tpu.vector_store_idx %arg9[%get3A_155], %broadcast_in_dim3A_48 : memref<64xi32, #tpu.memory_space<vmem>>[vector<16xi32>], vector<16xi32>,
    %get3A_156 = arith.constant 800 : index
    %get3A_157 = tpu.vector_load %arg8[%get3A_156] {strides = array<i32>} : memref<1024xi32, #tpu.memory_space<vmem>>, vector<16xi32>,
    tpu.vector_store_idx %arg9[%get3A_157], %broadcast_in_dim3A_48 : memref<64xi32, #tpu.memory_space<vmem>>[vector<16xi32>], vector<16xi32>,
    %get3A_158 = arith.constant 816 : index
    %get3A_159 = tpu.vector_load %arg8[%get3A_158] {strides = array<i32>} : memref<1024xi32, #tpu.memory_space<vmem>>, vector<16xi32>,
    tpu.vector_store_idx %arg9[%get3A_159], %broadcast_in_dim3A_48 : memref<64xi32, #tpu.memory_space<vmem>>[vector<16xi32>], vector<16xi32>,
    %get3A_160 = arith.constant 832 : index
    %get3A_161 = tpu.vector_load %arg8[%get3A_160] {strides = array<i32>} : memref<1024xi32, #tpu.memory_space<vmem>>, vector<16xi32>,
    tpu.vector_store_idx %arg9[%get3A_161], %broadcast_in_dim3A_48 : memref<64xi32, #tpu.memory_space<vmem>>[vector<16xi32>], vector<16xi32>,
    %get3A_162 = arith.constant 848 : index
    %get3A_163 = tpu.vector_load %arg8[%get3A_162] {strides = array<i32>} : memref<1024xi32, #tpu.memory_space<vmem>>, vector<16xi32>,
    tpu.vector_store_idx %arg9[%get3A_163], %broadcast_in_dim3A_48 : memref<64xi32, #tpu.memory_space<vmem>>[vector<16xi32>], vector<16xi32>,
    %get3A_164 = arith.constant 864 : index
    %get3A_165 = tpu.vector_load %arg8[%get3A_164] {strides = array<i32>} : memref<1024xi32, #tpu.memory_space<vmem>>, vector<16xi32>,
    tpu.vector_store_idx %arg9[%get3A_165], %broadcast_in_dim3A_48 : memref<64xi32, #tpu.memory_space<vmem>>[vector<16xi32>], vector<16xi32>,
    %get3A_166 = arith.constant 880 : index
    %get3A_167 = tpu.vector_load %arg8[%get3A_166] {strides = array<i32>} : memref<1024xi32, #tpu.memory_space<vmem>>, vector<16xi32>,
    tpu.vector_store_idx %arg9[%get3A_167], %broadcast_in_dim3A_48 : memref<64xi32, #tpu.memory_space<vmem>>[vector<16xi32>], vector<16xi32>,
    %get3A_168 = arith.constant 896 : index
    %get3A_169 = tpu.vector_load %arg8[%get3A_168] {strides = array<i32>} : memref<1024xi32, #tpu.memory_space<vmem>>, vector<16xi32>,
    tpu.vector_store_idx %arg9[%get3A_169], %broadcast_in_dim3A_48 : memref<64xi32, #tpu.memory_space<vmem>>[vector<16xi32>], vector<16xi32>,
    %get3A_170 = arith.constant 912 : index
    %get3A_171 = tpu.vector_load %arg8[%get3A_170] {strides = array<i32>} : memref<1024xi32, #tpu.memory_space<vmem>>, vector<16xi32>,
    tpu.vector_store_idx %arg9[%get3A_171], %broadcast_in_dim3A_48 : memref<64xi32, #tpu.memory_space<vmem>>[vector<16xi32>], vector<16xi32>,
    %get3A_172 = arith.constant 928 : index
    %get3A_173 = tpu.vector_load %arg8[%get3A_172] {strides = array<i32>} : memref<1024xi32, #tpu.memory_space<vmem>>, vector<16xi32>,
    tpu.vector_store_idx %arg9[%get3A_173], %broadcast_in_dim3A_48 : memref<64xi32, #tpu.memory_space<vmem>>[vector<16xi32>], vector<16xi32>,
    %get3A_174 = arith.constant 944 : index
    %get3A_175 = tpu.vector_load %arg8[%get3A_174] {strides = array<i32>} : memref<1024xi32, #tpu.memory_space<vmem>>, vector<16xi32>,
    tpu.vector_store_idx %arg9[%get3A_175], %broadcast_in_dim3A_48 : memref<64xi32, #tpu.memory_space<vmem>>[vector<16xi32>], vector<16xi32>,
    %get3A_176 = arith.constant 960 : index
    %get3A_177 = tpu.vector_load %arg8[%get3A_176] {strides = array<i32>} : memref<1024xi32, #tpu.memory_space<vmem>>, vector<16xi32>,
    tpu.vector_store_idx %arg9[%get3A_177], %broadcast_in_dim3A_48 : memref<64xi32, #tpu.memory_space<vmem>>[vector<16xi32>], vector<16xi32>,
    %get3A_178 = arith.constant 976 : index
    %get3A_179 = tpu.vector_load %arg8[%get3A_178] {strides = array<i32>} : memref<1024xi32, #tpu.memory_space<vmem>>, vector<16xi32>,
    tpu.vector_store_idx %arg9[%get3A_179], %broadcast_in_dim3A_48 : memref<64xi32, #tpu.memory_space<vmem>>[vector<16xi32>], vector<16xi32>,
    %get3A_180 = arith.constant 992 : index
    %get3A_181 = tpu.vector_load %arg8[%get3A_180] {strides = array<i32>} : memref<1024xi32, #tpu.memory_space<vmem>>, vector<16xi32>,
    tpu.vector_store_idx %arg9[%get3A_181], %broadcast_in_dim3A_48 : memref<64xi32, #tpu.memory_space<vmem>>[vector<16xi32>], vector<16xi32>,
    %get3A_182 = arith.constant 1008 : index
    %get3A_183 = tpu.vector_load %arg8[%get3A_182] {strides = array<i32>} : memref<1024xi32, #tpu.memory_space<vmem>>, vector<16xi32>,
    tpu.vector_store_idx %arg9[%get3A_183], %broadcast_in_dim3A_48 : memref<64xi32, #tpu.memory_space<vmem>>[vector<16xi32>], vector<16xi32>,
    "tpu.region"() ({
      %run_scoped3A = tpu.sem_alloc : memref<!tpu.dma_semaphore, #tpu.memory_space<semaphore_mem>>
      %dma_start3A_766 = arith.constant 0 : i32
      %dma_start3A_767 = tpu.memref_slice %arg13[%arg1, %dma_start3A_766] : memref<16x64xi32, #tpu.memory_space<vmem_shared>> -> memref<1x64xi32, #tpu.memory_space<vmem_shared>>
      %dma_start3A_768 = tpu.memref_squeeze %dma_start3A_767 : memref<1x64xi32, #tpu.memory_space<vmem_shared>> -> memref<64xi32, #tpu.memory_space<vmem_shared>>
      %dma_start3A_769 = arith.constant 0 : i32
      %dma_start3A_770 = tpu.memref_slice %arg13[%arg1, %dma_start3A_769] : memref<16x64xi32, #tpu.memory_space<vmem_shared>> -> memref<1x64xi32, #tpu.memory_space<vmem_shared>>
      %dma_start3A_771 = tpu.memref_squeeze %dma_start3A_770 : memref<1x64xi32, #tpu.memory_space<vmem_shared>> -> memref<64xi32, #tpu.memory_space<vmem_shared>>
      tpu.enqueue_dma source(%arg9 : memref<64xi32, #tpu.memory_space<vmem>>) target(%dma_start3A_771 : memref<64xi32, #tpu.memory_space<vmem_shared>>) target_semaphore(%run_scoped3A : memref<!tpu.dma_semaphore, #tpu.memory_space<semaphore_mem>>)
      %dma_wait3A_772 = arith.constant 0 : i32
      %dma_wait3A_773 = tpu.memref_slice %arg13[%arg1, %dma_wait3A_772] : memref<16x64xi32, #tpu.memory_space<vmem_shared>> -> memref<1x64xi32, #tpu.memory_space<vmem_shared>>
      %dma_wait3A_774 = tpu.memref_squeeze %dma_wait3A_773 : memref<1x64xi32, #tpu.memory_space<vmem_shared>> -> memref<64xi32, #tpu.memory_space<vmem_shared>>
      %dma_wait3A_775 = arith.constant 0 : i32
      %dma_wait3A_776 = tpu.memref_slice %arg13[%arg1, %dma_wait3A_775] : memref<16x64xi32, #tpu.memory_space<vmem_shared>> -> memref<1x64xi32, #tpu.memory_space<vmem_shared>>
      %dma_wait3A_777 = tpu.memref_squeeze %dma_wait3A_776 : memref<1x64xi32, #tpu.memory_space<vmem_shared>> -> memref<64xi32, #tpu.memory_space<vmem_shared>>
      tpu.wait_dma2 semaphore(%run_scoped3A : memref<!tpu.dma_semaphore, #tpu.memory_space<semaphore_mem>>) src(%arg9 : memref<64xi32, #tpu.memory_space<vmem>>) dst(%dma_wait3A_777 : memref<64xi32, #tpu.memory_space<vmem_shared>>)
      tpu.yield
    }) : () -> ()
    %barrier3A = arith.constant 0 : index
    tpu.barrier barrier_id(%barrier3A)
    "tpu.region"() ({
      %run_scoped3A = tpu.sem_alloc : memref<!tpu.dma_semaphore, #tpu.memory_space<semaphore_mem>>
      tpu.enqueue_dma source(%arg13 : memref<16x64xi32, #tpu.memory_space<vmem_shared>>) target(%arg10 : memref<16x64xi32, #tpu.memory_space<vmem>>) target_semaphore(%run_scoped3A : memref<!tpu.dma_semaphore, #tpu.memory_space<semaphore_mem>>)
      tpu.wait_dma2 semaphore(%run_scoped3A : memref<!tpu.dma_semaphore, #tpu.memory_space<semaphore_mem>>) src(%arg13 : memref<16x64xi32, #tpu.memory_space<vmem_shared>>) dst(%arg10 : memref<16x64xi32, #tpu.memory_space<vmem>>)
      tpu.yield
    }) : () -> ()
    %get3A_184 = arith.constant 0 : i32
    %get3A_185 = arith.index_cast %get3A_184 : i32 to index
    %get3A_186 = arith.constant 0 : index
    %get3A_187 = tpu.vector_load %arg10[%get3A_185, %get3A_186] {strides = array<i32>} : memref<16x64xi32, #tpu.memory_space<vmem>>, vector<16xi32>,
    %get3A_188 = arith.constant 1 : i32
    %get3A_189 = arith.index_cast %get3A_188 : i32 to index
    %get3A_190 = arith.constant 0 : index
    %get3A_191 = tpu.vector_load %arg10[%get3A_189, %get3A_190] {strides = array<i32>} : memref<16x64xi32, #tpu.memory_space<vmem>>, vector<16xi32>,
    %max3A = arith.maxsi %get3A_187, %get3A_191 : vector<16xi32>
    %get3A_192 = arith.constant 2 : i32
    %get3A_193 = arith.index_cast %get3A_192 : i32 to index
    %get3A_194 = arith.constant 0 : index
    %get3A_195 = tpu.vector_load %arg10[%get3A_193, %get3A_194] {strides = array<i32>} : memref<16x64xi32, #tpu.memory_space<vmem>>, vector<16xi32>,
    %max3A_196 = arith.maxsi %max3A, %get3A_195 : vector<16xi32>
    %get3A_197 = arith.constant 3 : i32
    %get3A_198 = arith.index_cast %get3A_197 : i32 to index
    %get3A_199 = arith.constant 0 : index
    %get3A_200 = tpu.vector_load %arg10[%get3A_198, %get3A_199] {strides = array<i32>} : memref<16x64xi32, #tpu.memory_space<vmem>>, vector<16xi32>,
    %max3A_201 = arith.maxsi %max3A_196, %get3A_200 : vector<16xi32>
    %get3A_202 = arith.constant 4 : i32
    %get3A_203 = arith.index_cast %get3A_202 : i32 to index
    %get3A_204 = arith.constant 0 : index
    %get3A_205 = tpu.vector_load %arg10[%get3A_203, %get3A_204] {strides = array<i32>} : memref<16x64xi32, #tpu.memory_space<vmem>>, vector<16xi32>,
    %max3A_206 = arith.maxsi %max3A_201, %get3A_205 : vector<16xi32>
    %get3A_207 = arith.constant 5 : i32
    %get3A_208 = arith.index_cast %get3A_207 : i32 to index
    %get3A_209 = arith.constant 0 : index
    %get3A_210 = tpu.vector_load %arg10[%get3A_208, %get3A_209] {strides = array<i32>} : memref<16x64xi32, #tpu.memory_space<vmem>>, vector<16xi32>,
    %max3A_211 = arith.maxsi %max3A_206, %get3A_210 : vector<16xi32>
    %get3A_212 = arith.constant 6 : i32
    %get3A_213 = arith.index_cast %get3A_212 : i32 to index
    %get3A_214 = arith.constant 0 : index
    %get3A_215 = tpu.vector_load %arg10[%get3A_213, %get3A_214] {strides = array<i32>} : memref<16x64xi32, #tpu.memory_space<vmem>>, vector<16xi32>,
    %max3A_216 = arith.maxsi %max3A_211, %get3A_215 : vector<16xi32>
    %get3A_217 = arith.constant 7 : i32
    %get3A_218 = arith.index_cast %get3A_217 : i32 to index
    %get3A_219 = arith.constant 0 : index
    %get3A_220 = tpu.vector_load %arg10[%get3A_218, %get3A_219] {strides = array<i32>} : memref<16x64xi32, #tpu.memory_space<vmem>>, vector<16xi32>,
    %max3A_221 = arith.maxsi %max3A_216, %get3A_220 : vector<16xi32>
    %get3A_222 = arith.constant 8 : i32
    %get3A_223 = arith.index_cast %get3A_222 : i32 to index
    %get3A_224 = arith.constant 0 : index
    %get3A_225 = tpu.vector_load %arg10[%get3A_223, %get3A_224] {strides = array<i32>} : memref<16x64xi32, #tpu.memory_space<vmem>>, vector<16xi32>,
    %max3A_226 = arith.maxsi %max3A_221, %get3A_225 : vector<16xi32>
    %get3A_227 = arith.constant 9 : i32
    %get3A_228 = arith.index_cast %get3A_227 : i32 to index
    %get3A_229 = arith.constant 0 : index
    %get3A_230 = tpu.vector_load %arg10[%get3A_228, %get3A_229] {strides = array<i32>} : memref<16x64xi32, #tpu.memory_space<vmem>>, vector<16xi32>,
    %max3A_231 = arith.maxsi %max3A_226, %get3A_230 : vector<16xi32>
    %get3A_232 = arith.constant 10 : i32
    %get3A_233 = arith.index_cast %get3A_232 : i32 to index
    %get3A_234 = arith.constant 0 : index
    %get3A_235 = tpu.vector_load %arg10[%get3A_233, %get3A_234] {strides = array<i32>} : memref<16x64xi32, #tpu.memory_space<vmem>>, vector<16xi32>,
    %max3A_236 = arith.maxsi %max3A_231, %get3A_235 : vector<16xi32>
    %get3A_237 = arith.constant 11 : i32
    %get3A_238 = arith.index_cast %get3A_237 : i32 to index
    %get3A_239 = arith.constant 0 : index
    %get3A_240 = tpu.vector_load %arg10[%get3A_238, %get3A_239] {strides = array<i32>} : memref<16x64xi32, #tpu.memory_space<vmem>>, vector<16xi32>,
    %max3A_241 = arith.maxsi %max3A_236, %get3A_240 : vector<16xi32>
    %get3A_242 = arith.constant 12 : i32
    %get3A_243 = arith.index_cast %get3A_242 : i32 to index
    %get3A_244 = arith.constant 0 : index
    %get3A_245 = tpu.vector_load %arg10[%get3A_243, %get3A_244] {strides = array<i32>} : memref<16x64xi32, #tpu.memory_space<vmem>>, vector<16xi32>,
    %max3A_246 = arith.maxsi %max3A_241, %get3A_245 : vector<16xi32>
    %get3A_247 = arith.constant 13 : i32
    %get3A_248 = arith.index_cast %get3A_247 : i32 to index
    %get3A_249 = arith.constant 0 : index
    %get3A_250 = tpu.vector_load %arg10[%get3A_248, %get3A_249] {strides = array<i32>} : memref<16x64xi32, #tpu.memory_space<vmem>>, vector<16xi32>,
    %max3A_251 = arith.maxsi %max3A_246, %get3A_250 : vector<16xi32>
    %get3A_252 = arith.constant 14 : i32
    %get3A_253 = arith.index_cast %get3A_252 : i32 to index
    %get3A_254 = arith.constant 0 : index
    %get3A_255 = tpu.vector_load %arg10[%get3A_253, %get3A_254] {strides = array<i32>} : memref<16x64xi32, #tpu.memory_space<vmem>>, vector<16xi32>,
    %max3A_256 = arith.maxsi %max3A_251, %get3A_255 : vector<16xi32>
    %get3A_257 = arith.constant 15 : i32
    %get3A_258 = arith.index_cast %get3A_257 : i32 to index
    %get3A_259 = arith.constant 0 : index
    %get3A_260 = tpu.vector_load %arg10[%get3A_258, %get3A_259] {strides = array<i32>} : memref<16x64xi32, #tpu.memory_space<vmem>>, vector<16xi32>,
    %max3A_261 = arith.maxsi %max3A_256, %get3A_260 : vector<16xi32>
    %get3A_262 = arith.constant 0 : i32
    %get3A_263 = arith.index_cast %get3A_262 : i32 to index
    %get3A_264 = arith.constant 16 : index
    %get3A_265 = tpu.vector_load %arg10[%get3A_263, %get3A_264] {strides = array<i32>} : memref<16x64xi32, #tpu.memory_space<vmem>>, vector<16xi32>,
    %get3A_266 = arith.constant 1 : i32
    %get3A_267 = arith.index_cast %get3A_266 : i32 to index
    %get3A_268 = arith.constant 16 : index
    %get3A_269 = tpu.vector_load %arg10[%get3A_267, %get3A_268] {strides = array<i32>} : memref<16x64xi32, #tpu.memory_space<vmem>>, vector<16xi32>,
    %max3A_270 = arith.maxsi %get3A_265, %get3A_269 : vector<16xi32>
    %get3A_271 = arith.constant 2 : i32
    %get3A_272 = arith.index_cast %get3A_271 : i32 to index
    %get3A_273 = arith.constant 16 : index
    %get3A_274 = tpu.vector_load %arg10[%get3A_272, %get3A_273] {strides = array<i32>} : memref<16x64xi32, #tpu.memory_space<vmem>>, vector<16xi32>,
    %max3A_275 = arith.maxsi %max3A_270, %get3A_274 : vector<16xi32>
    %get3A_276 = arith.constant 3 : i32
    %get3A_277 = arith.index_cast %get3A_276 : i32 to index
    %get3A_278 = arith.constant 16 : index
    %get3A_279 = tpu.vector_load %arg10[%get3A_277, %get3A_278] {strides = array<i32>} : memref<16x64xi32, #tpu.memory_space<vmem>>, vector<16xi32>,
    %max3A_280 = arith.maxsi %max3A_275, %get3A_279 : vector<16xi32>
    %get3A_281 = arith.constant 4 : i32
    %get3A_282 = arith.index_cast %get3A_281 : i32 to index
    %get3A_283 = arith.constant 16 : index
    %get3A_284 = tpu.vector_load %arg10[%get3A_282, %get3A_283] {strides = array<i32>} : memref<16x64xi32, #tpu.memory_space<vmem>>, vector<16xi32>,
    %max3A_285 = arith.maxsi %max3A_280, %get3A_284 : vector<16xi32>
    %get3A_286 = arith.constant 5 : i32
    %get3A_287 = arith.index_cast %get3A_286 : i32 to index
    %get3A_288 = arith.constant 16 : index
    %get3A_289 = tpu.vector_load %arg10[%get3A_287, %get3A_288] {strides = array<i32>} : memref<16x64xi32, #tpu.memory_space<vmem>>, vector<16xi32>,
    %max3A_290 = arith.maxsi %max3A_285, %get3A_289 : vector<16xi32>
    %get3A_291 = arith.constant 6 : i32
    %get3A_292 = arith.index_cast %get3A_291 : i32 to index
    %get3A_293 = arith.constant 16 : index
    %get3A_294 = tpu.vector_load %arg10[%get3A_292, %get3A_293] {strides = array<i32>} : memref<16x64xi32, #tpu.memory_space<vmem>>, vector<16xi32>,
    %max3A_295 = arith.maxsi %max3A_290, %get3A_294 : vector<16xi32>
    %get3A_296 = arith.constant 7 : i32
    %get3A_297 = arith.index_cast %get3A_296 : i32 to index
    %get3A_298 = arith.constant 16 : index
    %get3A_299 = tpu.vector_load %arg10[%get3A_297, %get3A_298] {strides = array<i32>} : memref<16x64xi32, #tpu.memory_space<vmem>>, vector<16xi32>,
    %max3A_300 = arith.maxsi %max3A_295, %get3A_299 : vector<16xi32>
    %get3A_301 = arith.constant 8 : i32
    %get3A_302 = arith.index_cast %get3A_301 : i32 to index
    %get3A_303 = arith.constant 16 : index
    %get3A_304 = tpu.vector_load %arg10[%get3A_302, %get3A_303] {strides = array<i32>} : memref<16x64xi32, #tpu.memory_space<vmem>>, vector<16xi32>,
    %max3A_305 = arith.maxsi %max3A_300, %get3A_304 : vector<16xi32>
    %get3A_306 = arith.constant 9 : i32
    %get3A_307 = arith.index_cast %get3A_306 : i32 to index
    %get3A_308 = arith.constant 16 : index
    %get3A_309 = tpu.vector_load %arg10[%get3A_307, %get3A_308] {strides = array<i32>} : memref<16x64xi32, #tpu.memory_space<vmem>>, vector<16xi32>,
    %max3A_310 = arith.maxsi %max3A_305, %get3A_309 : vector<16xi32>
    %get3A_311 = arith.constant 10 : i32
    %get3A_312 = arith.index_cast %get3A_311 : i32 to index
    %get3A_313 = arith.constant 16 : index
    %get3A_314 = tpu.vector_load %arg10[%get3A_312, %get3A_313] {strides = array<i32>} : memref<16x64xi32, #tpu.memory_space<vmem>>, vector<16xi32>,
    %max3A_315 = arith.maxsi %max3A_310, %get3A_314 : vector<16xi32>
    %get3A_316 = arith.constant 11 : i32
    %get3A_317 = arith.index_cast %get3A_316 : i32 to index
    %get3A_318 = arith.constant 16 : index
    %get3A_319 = tpu.vector_load %arg10[%get3A_317, %get3A_318] {strides = array<i32>} : memref<16x64xi32, #tpu.memory_space<vmem>>, vector<16xi32>,
    %max3A_320 = arith.maxsi %max3A_315, %get3A_319 : vector<16xi32>
    %get3A_321 = arith.constant 12 : i32
    %get3A_322 = arith.index_cast %get3A_321 : i32 to index
    %get3A_323 = arith.constant 16 : index
    %get3A_324 = tpu.vector_load %arg10[%get3A_322, %get3A_323] {strides = array<i32>} : memref<16x64xi32, #tpu.memory_space<vmem>>, vector<16xi32>,
    %max3A_325 = arith.maxsi %max3A_320, %get3A_324 : vector<16xi32>
    %get3A_326 = arith.constant 13 : i32
    %get3A_327 = arith.index_cast %get3A_326 : i32 to index
    %get3A_328 = arith.constant 16 : index
    %get3A_329 = tpu.vector_load %arg10[%get3A_327, %get3A_328] {strides = array<i32>} : memref<16x64xi32, #tpu.memory_space<vmem>>, vector<16xi32>,
    %max3A_330 = arith.maxsi %max3A_325, %get3A_329 : vector<16xi32>
    %get3A_331 = arith.constant 14 : i32
    %get3A_332 = arith.index_cast %get3A_331 : i32 to index
    %get3A_333 = arith.constant 16 : index
    %get3A_334 = tpu.vector_load %arg10[%get3A_332, %get3A_333] {strides = array<i32>} : memref<16x64xi32, #tpu.memory_space<vmem>>, vector<16xi32>,
    %max3A_335 = arith.maxsi %max3A_330, %get3A_334 : vector<16xi32>
    %get3A_336 = arith.constant 15 : i32
    %get3A_337 = arith.index_cast %get3A_336 : i32 to index
    %get3A_338 = arith.constant 16 : index
    %get3A_339 = tpu.vector_load %arg10[%get3A_337, %get3A_338] {strides = array<i32>} : memref<16x64xi32, #tpu.memory_space<vmem>>, vector<16xi32>,
    %max3A_340 = arith.maxsi %max3A_335, %get3A_339 : vector<16xi32>
    %get3A_341 = arith.constant 0 : i32
    %get3A_342 = arith.index_cast %get3A_341 : i32 to index
    %get3A_343 = arith.constant 32 : index
    %get3A_344 = tpu.vector_load %arg10[%get3A_342, %get3A_343] {strides = array<i32>} : memref<16x64xi32, #tpu.memory_space<vmem>>, vector<16xi32>,
    %get3A_345 = arith.constant 1 : i32
    %get3A_346 = arith.index_cast %get3A_345 : i32 to index
    %get3A_347 = arith.constant 32 : index
    %get3A_348 = tpu.vector_load %arg10[%get3A_346, %get3A_347] {strides = array<i32>} : memref<16x64xi32, #tpu.memory_space<vmem>>, vector<16xi32>,
    %max3A_349 = arith.maxsi %get3A_344, %get3A_348 : vector<16xi32>
    %get3A_350 = arith.constant 2 : i32
    %get3A_351 = arith.index_cast %get3A_350 : i32 to index
    %get3A_352 = arith.constant 32 : index
    %get3A_353 = tpu.vector_load %arg10[%get3A_351, %get3A_352] {strides = array<i32>} : memref<16x64xi32, #tpu.memory_space<vmem>>, vector<16xi32>,
    %max3A_354 = arith.maxsi %max3A_349, %get3A_353 : vector<16xi32>
    %get3A_355 = arith.constant 3 : i32
    %get3A_356 = arith.index_cast %get3A_355 : i32 to index
    %get3A_357 = arith.constant 32 : index
    %get3A_358 = tpu.vector_load %arg10[%get3A_356, %get3A_357] {strides = array<i32>} : memref<16x64xi32, #tpu.memory_space<vmem>>, vector<16xi32>,
    %max3A_359 = arith.maxsi %max3A_354, %get3A_358 : vector<16xi32>
    %get3A_360 = arith.constant 4 : i32
    %get3A_361 = arith.index_cast %get3A_360 : i32 to index
    %get3A_362 = arith.constant 32 : index
    %get3A_363 = tpu.vector_load %arg10[%get3A_361, %get3A_362] {strides = array<i32>} : memref<16x64xi32, #tpu.memory_space<vmem>>, vector<16xi32>,
    %max3A_364 = arith.maxsi %max3A_359, %get3A_363 : vector<16xi32>
    %get3A_365 = arith.constant 5 : i32
    %get3A_366 = arith.index_cast %get3A_365 : i32 to index
    %get3A_367 = arith.constant 32 : index
    %get3A_368 = tpu.vector_load %arg10[%get3A_366, %get3A_367] {strides = array<i32>} : memref<16x64xi32, #tpu.memory_space<vmem>>, vector<16xi32>,
    %max3A_369 = arith.maxsi %max3A_364, %get3A_368 : vector<16xi32>
    %get3A_370 = arith.constant 6 : i32
    %get3A_371 = arith.index_cast %get3A_370 : i32 to index
    %get3A_372 = arith.constant 32 : index
    %get3A_373 = tpu.vector_load %arg10[%get3A_371, %get3A_372] {strides = array<i32>} : memref<16x64xi32, #tpu.memory_space<vmem>>, vector<16xi32>,
    %max3A_374 = arith.maxsi %max3A_369, %get3A_373 : vector<16xi32>
    %get3A_375 = arith.constant 7 : i32
    %get3A_376 = arith.index_cast %get3A_375 : i32 to index
    %get3A_377 = arith.constant 32 : index
    %get3A_378 = tpu.vector_load %arg10[%get3A_376, %get3A_377] {strides = array<i32>} : memref<16x64xi32, #tpu.memory_space<vmem>>, vector<16xi32>,
    %max3A_379 = arith.maxsi %max3A_374, %get3A_378 : vector<16xi32>
    %get3A_380 = arith.constant 8 : i32
    %get3A_381 = arith.index_cast %get3A_380 : i32 to index
    %get3A_382 = arith.constant 32 : index
    %get3A_383 = tpu.vector_load %arg10[%get3A_381, %get3A_382] {strides = array<i32>} : memref<16x64xi32, #tpu.memory_space<vmem>>, vector<16xi32>,
    %max3A_384 = arith.maxsi %max3A_379, %get3A_383 : vector<16xi32>
    %get3A_385 = arith.constant 9 : i32
    %get3A_386 = arith.index_cast %get3A_385 : i32 to index
    %get3A_387 = arith.constant 32 : index
    %get3A_388 = tpu.vector_load %arg10[%get3A_386, %get3A_387] {strides = array<i32>} : memref<16x64xi32, #tpu.memory_space<vmem>>, vector<16xi32>,
    %max3A_389 = arith.maxsi %max3A_384, %get3A_388 : vector<16xi32>
    %get3A_390 = arith.constant 10 : i32
    %get3A_391 = arith.index_cast %get3A_390 : i32 to index
    %get3A_392 = arith.constant 32 : index
    %get3A_393 = tpu.vector_load %arg10[%get3A_391, %get3A_392] {strides = array<i32>} : memref<16x64xi32, #tpu.memory_space<vmem>>, vector<16xi32>,
    %max3A_394 = arith.maxsi %max3A_389, %get3A_393 : vector<16xi32>
    %get3A_395 = arith.constant 11 : i32
    %get3A_396 = arith.index_cast %get3A_395 : i32 to index
    %get3A_397 = arith.constant 32 : index
    %get3A_398 = tpu.vector_load %arg10[%get3A_396, %get3A_397] {strides = array<i32>} : memref<16x64xi32, #tpu.memory_space<vmem>>, vector<16xi32>,
    %max3A_399 = arith.maxsi %max3A_394, %get3A_398 : vector<16xi32>
    %get3A_400 = arith.constant 12 : i32
    %get3A_401 = arith.index_cast %get3A_400 : i32 to index
    %get3A_402 = arith.constant 32 : index
    %get3A_403 = tpu.vector_load %arg10[%get3A_401, %get3A_402] {strides = array<i32>} : memref<16x64xi32, #tpu.memory_space<vmem>>, vector<16xi32>,
    %max3A_404 = arith.maxsi %max3A_399, %get3A_403 : vector<16xi32>
    %get3A_405 = arith.constant 13 : i32
    %get3A_406 = arith.index_cast %get3A_405 : i32 to index
    %get3A_407 = arith.constant 32 : index
    %get3A_408 = tpu.vector_load %arg10[%get3A_406, %get3A_407] {strides = array<i32>} : memref<16x64xi32, #tpu.memory_space<vmem>>, vector<16xi32>,
    %max3A_409 = arith.maxsi %max3A_404, %get3A_408 : vector<16xi32>
    %get3A_410 = arith.constant 14 : i32
    %get3A_411 = arith.index_cast %get3A_410 : i32 to index
    %get3A_412 = arith.constant 32 : index
    %get3A_413 = tpu.vector_load %arg10[%get3A_411, %get3A_412] {strides = array<i32>} : memref<16x64xi32, #tpu.memory_space<vmem>>, vector<16xi32>,
    %max3A_414 = arith.maxsi %max3A_409, %get3A_413 : vector<16xi32>
    %get3A_415 = arith.constant 15 : i32
    %get3A_416 = arith.index_cast %get3A_415 : i32 to index
    %get3A_417 = arith.constant 32 : index
    %get3A_418 = tpu.vector_load %arg10[%get3A_416, %get3A_417] {strides = array<i32>} : memref<16x64xi32, #tpu.memory_space<vmem>>, vector<16xi32>,
    %max3A_419 = arith.maxsi %max3A_414, %get3A_418 : vector<16xi32>
    %get3A_420 = arith.constant 0 : i32
    %get3A_421 = arith.index_cast %get3A_420 : i32 to index
    %get3A_422 = arith.constant 48 : index
    %get3A_423 = tpu.vector_load %arg10[%get3A_421, %get3A_422] {strides = array<i32>} : memref<16x64xi32, #tpu.memory_space<vmem>>, vector<16xi32>,
    %get3A_424 = arith.constant 1 : i32
    %get3A_425 = arith.index_cast %get3A_424 : i32 to index
    %get3A_426 = arith.constant 48 : index
    %get3A_427 = tpu.vector_load %arg10[%get3A_425, %get3A_426] {strides = array<i32>} : memref<16x64xi32, #tpu.memory_space<vmem>>, vector<16xi32>,
    %max3A_428 = arith.maxsi %get3A_423, %get3A_427 : vector<16xi32>
    %get3A_429 = arith.constant 2 : i32
    %get3A_430 = arith.index_cast %get3A_429 : i32 to index
    %get3A_431 = arith.constant 48 : index
    %get3A_432 = tpu.vector_load %arg10[%get3A_430, %get3A_431] {strides = array<i32>} : memref<16x64xi32, #tpu.memory_space<vmem>>, vector<16xi32>,
    %max3A_433 = arith.maxsi %max3A_428, %get3A_432 : vector<16xi32>
    %get3A_434 = arith.constant 3 : i32
    %get3A_435 = arith.index_cast %get3A_434 : i32 to index
    %get3A_436 = arith.constant 48 : index
    %get3A_437 = tpu.vector_load %arg10[%get3A_435, %get3A_436] {strides = array<i32>} : memref<16x64xi32, #tpu.memory_space<vmem>>, vector<16xi32>,
    %max3A_438 = arith.maxsi %max3A_433, %get3A_437 : vector<16xi32>
    %get3A_439 = arith.constant 4 : i32
    %get3A_440 = arith.index_cast %get3A_439 : i32 to index
    %get3A_441 = arith.constant 48 : index
    %get3A_442 = tpu.vector_load %arg10[%get3A_440, %get3A_441] {strides = array<i32>} : memref<16x64xi32, #tpu.memory_space<vmem>>, vector<16xi32>,
    %max3A_443 = arith.maxsi %max3A_438, %get3A_442 : vector<16xi32>
    %get3A_444 = arith.constant 5 : i32
    %get3A_445 = arith.index_cast %get3A_444 : i32 to index
    %get3A_446 = arith.constant 48 : index
    %get3A_447 = tpu.vector_load %arg10[%get3A_445, %get3A_446] {strides = array<i32>} : memref<16x64xi32, #tpu.memory_space<vmem>>, vector<16xi32>,
    %max3A_448 = arith.maxsi %max3A_443, %get3A_447 : vector<16xi32>
    %get3A_449 = arith.constant 6 : i32
    %get3A_450 = arith.index_cast %get3A_449 : i32 to index
    %get3A_451 = arith.constant 48 : index
    %get3A_452 = tpu.vector_load %arg10[%get3A_450, %get3A_451] {strides = array<i32>} : memref<16x64xi32, #tpu.memory_space<vmem>>, vector<16xi32>,
    %max3A_453 = arith.maxsi %max3A_448, %get3A_452 : vector<16xi32>
    %get3A_454 = arith.constant 7 : i32
    %get3A_455 = arith.index_cast %get3A_454 : i32 to index
    %get3A_456 = arith.constant 48 : index
    %get3A_457 = tpu.vector_load %arg10[%get3A_455, %get3A_456] {strides = array<i32>} : memref<16x64xi32, #tpu.memory_space<vmem>>, vector<16xi32>,
    %max3A_458 = arith.maxsi %max3A_453, %get3A_457 : vector<16xi32>
    %get3A_459 = arith.constant 8 : i32
    %get3A_460 = arith.index_cast %get3A_459 : i32 to index
    %get3A_461 = arith.constant 48 : index
    %get3A_462 = tpu.vector_load %arg10[%get3A_460, %get3A_461] {strides = array<i32>} : memref<16x64xi32, #tpu.memory_space<vmem>>, vector<16xi32>,
    %max3A_463 = arith.maxsi %max3A_458, %get3A_462 : vector<16xi32>
    %get3A_464 = arith.constant 9 : i32
    %get3A_465 = arith.index_cast %get3A_464 : i32 to index
    %get3A_466 = arith.constant 48 : index
    %get3A_467 = tpu.vector_load %arg10[%get3A_465, %get3A_466] {strides = array<i32>} : memref<16x64xi32, #tpu.memory_space<vmem>>, vector<16xi32>,
    %max3A_468 = arith.maxsi %max3A_463, %get3A_467 : vector<16xi32>
    %get3A_469 = arith.constant 10 : i32
    %get3A_470 = arith.index_cast %get3A_469 : i32 to index
    %get3A_471 = arith.constant 48 : index
    %get3A_472 = tpu.vector_load %arg10[%get3A_470, %get3A_471] {strides = array<i32>} : memref<16x64xi32, #tpu.memory_space<vmem>>, vector<16xi32>,
    %max3A_473 = arith.maxsi %max3A_468, %get3A_472 : vector<16xi32>
    %get3A_474 = arith.constant 11 : i32
    %get3A_475 = arith.index_cast %get3A_474 : i32 to index
    %get3A_476 = arith.constant 48 : index
    %get3A_477 = tpu.vector_load %arg10[%get3A_475, %get3A_476] {strides = array<i32>} : memref<16x64xi32, #tpu.memory_space<vmem>>, vector<16xi32>,
    %max3A_478 = arith.maxsi %max3A_473, %get3A_477 : vector<16xi32>
    %get3A_479 = arith.constant 12 : i32
    %get3A_480 = arith.index_cast %get3A_479 : i32 to index
    %get3A_481 = arith.constant 48 : index
    %get3A_482 = tpu.vector_load %arg10[%get3A_480, %get3A_481] {strides = array<i32>} : memref<16x64xi32, #tpu.memory_space<vmem>>, vector<16xi32>,
    %max3A_483 = arith.maxsi %max3A_478, %get3A_482 : vector<16xi32>
    %get3A_484 = arith.constant 13 : i32
    %get3A_485 = arith.index_cast %get3A_484 : i32 to index
    %get3A_486 = arith.constant 48 : index
    %get3A_487 = tpu.vector_load %arg10[%get3A_485, %get3A_486] {strides = array<i32>} : memref<16x64xi32, #tpu.memory_space<vmem>>, vector<16xi32>,
    %max3A_488 = arith.maxsi %max3A_483, %get3A_487 : vector<16xi32>
    %get3A_489 = arith.constant 14 : i32
    %get3A_490 = arith.index_cast %get3A_489 : i32 to index
    %get3A_491 = arith.constant 48 : index
    %get3A_492 = tpu.vector_load %arg10[%get3A_490, %get3A_491] {strides = array<i32>} : memref<16x64xi32, #tpu.memory_space<vmem>>, vector<16xi32>,
    %max3A_493 = arith.maxsi %max3A_488, %get3A_492 : vector<16xi32>
    %get3A_494 = arith.constant 15 : i32
    %get3A_495 = arith.index_cast %get3A_494 : i32 to index
    %get3A_496 = arith.constant 48 : index
    %get3A_497 = tpu.vector_load %arg10[%get3A_495, %get3A_496] {strides = array<i32>} : memref<16x64xi32, #tpu.memory_space<vmem>>, vector<16xi32>,
    %max3A_498 = arith.maxsi %max3A_493, %get3A_497 : vector<16xi32>
    %get3A_499 = arith.constant 0 : index
    %get3A_500 = tpu.vector_load %arg12[%get3A_499] {strides = array<i32>} : memref<16xf32, #tpu.memory_space<vmem>>, vector<16xf32>,
    %add3A_501 = arith.constant 0 : i32
    %add3A_502 = arith.addi %multiple_of3A, %add3A_501 : i32
    %dma_wait3A_503 = arith.constant 0 : i32
    %dma_wait3A_504 = tpu.memref_slice %arg7[%dma_wait3A_503] : memref<31264xf32, #tpu.memory_space<vmem>> -> memref<7816xf32, #tpu.memory_space<vmem>>
    %dma_wait3A_505 = tpu.memref_slice %arg5[%add3A_502] : memref<1000000xf32, #tpu.memory_space<hbm>> -> memref<7816xf32, #tpu.memory_space<hbm>>
    %dma_wait3A_506 = arith.constant 0 : i32
    %dma_wait3A_507 = tpu.memref_slice %arg7[%dma_wait3A_506] : memref<31264xf32, #tpu.memory_space<vmem>> -> memref<7816xf32, #tpu.memory_space<vmem>>
    %dma_wait3A_508 = tpu.memref_slice %arg5[%add3A_502] : memref<1000000xf32, #tpu.memory_space<hbm>> -> memref<7816xf32, #tpu.memory_space<hbm>>
    tpu.wait_dma2 semaphore(%arg14 : memref<!tpu.dma_semaphore, #tpu.memory_space<semaphore_mem>>) src(%dma_wait3A_508 : memref<7816xf32, #tpu.memory_space<hbm>>) dst(%dma_wait3A_507 : memref<7816xf32, #tpu.memory_space<vmem>>)
    %add3A_509 = arith.constant 0 : i32
    %add3A_510 = arith.addi %multiple_of3A, %add3A_509 : i32
    %add3A_511 = arith.constant 7816 : i32
    %add3A_512 = arith.addi %add3A_510, %add3A_511 : i32
    %min3A = arith.minsi %add3A_512, %add3A_45 : i32
    %gt3A = arith.constant 0 : i32
    %gt3A_513 = vector.broadcast %gt3A : i32 to vector<16xi32>
    %gt3A_514 = arith.cmpi sgt, %max3A_261, %gt3A_513 : vector<16xi32>
    %ge3A = vector.broadcast %add3A_510 : i32 to vector<16xi32>
    %ge3A_515 = arith.cmpi sge, %get3A_37, %ge3A : vector<16xi32>
    %and3A = arith.andi %gt3A_514, %ge3A_515 : vector<16xi1>
    %lt3A = vector.broadcast %min3A : i32 to vector<16xi32>
    %lt3A_516 = arith.cmpi slt, %get3A_37, %lt3A : vector<16xi32>
    %and3A_517 = arith.andi %and3A, %lt3A_516 : vector<16xi1>
    %sub3A = vector.broadcast %multiple_of3A : i32 to vector<16xi32>
    %sub3A_518 = arith.subi %get3A_37, %sub3A : vector<16xi32>
    %jit3A_519 = arith.constant 0 : i32
    %broadcast_in_dim3A_520 = vector.broadcast %jit3A_519 : i32 to vector<16xi32>
    %select_n3A_521 = arith.select %and3A_517, %sub3A_518, %broadcast_in_dim3A_520 : vector<16xi1>, vector<16xi32>
    tpu.vector_store_idx %arg7[%select_n3A_521], %get3A_500 masked %and3A_517 : memref<31264xf32, #tpu.memory_space<vmem>>[vector<16xi32>], vector<16xf32>, vector<16xi1>
    %gt3A_522 = arith.constant 0 : i32
    %gt3A_523 = vector.broadcast %gt3A_522 : i32 to vector<16xi32>
    %gt3A_524 = arith.cmpi sgt, %max3A_340, %gt3A_523 : vector<16xi32>
    %ge3A_525 = vector.broadcast %add3A_510 : i32 to vector<16xi32>
    %ge3A_526 = arith.cmpi sge, %get3A_39, %ge3A_525 : vector<16xi32>
    %and3A_527 = arith.andi %gt3A_524, %ge3A_526 : vector<16xi1>
    %lt3A_528 = vector.broadcast %min3A : i32 to vector<16xi32>
    %lt3A_529 = arith.cmpi slt, %get3A_39, %lt3A_528 : vector<16xi32>
    %and3A_530 = arith.andi %and3A_527, %lt3A_529 : vector<16xi1>
    %sub3A_531 = vector.broadcast %multiple_of3A : i32 to vector<16xi32>
    %sub3A_532 = arith.subi %get3A_39, %sub3A_531 : vector<16xi32>
    %jit3A_533 = arith.constant 0 : i32
    %broadcast_in_dim3A_534 = vector.broadcast %jit3A_533 : i32 to vector<16xi32>
    %select_n3A_535 = arith.select %and3A_530, %sub3A_532, %broadcast_in_dim3A_534 : vector<16xi1>, vector<16xi32>
    tpu.vector_store_idx %arg7[%select_n3A_535], %get3A_500 masked %and3A_530 : memref<31264xf32, #tpu.memory_space<vmem>>[vector<16xi32>], vector<16xf32>, vector<16xi1>
    %gt3A_536 = arith.constant 0 : i32
    %gt3A_537 = vector.broadcast %gt3A_536 : i32 to vector<16xi32>
    %gt3A_538 = arith.cmpi sgt, %max3A_419, %gt3A_537 : vector<16xi32>
    %ge3A_539 = vector.broadcast %add3A_510 : i32 to vector<16xi32>
    %ge3A_540 = arith.cmpi sge, %get3A_41, %ge3A_539 : vector<16xi32>
    %and3A_541 = arith.andi %gt3A_538, %ge3A_540 : vector<16xi1>
    %lt3A_542 = vector.broadcast %min3A : i32 to vector<16xi32>
    %lt3A_543 = arith.cmpi slt, %get3A_41, %lt3A_542 : vector<16xi32>
    %and3A_544 = arith.andi %and3A_541, %lt3A_543 : vector<16xi1>
    %sub3A_545 = vector.broadcast %multiple_of3A : i32 to vector<16xi32>
    %sub3A_546 = arith.subi %get3A_41, %sub3A_545 : vector<16xi32>
    %jit3A_547 = arith.constant 0 : i32
    %broadcast_in_dim3A_548 = vector.broadcast %jit3A_547 : i32 to vector<16xi32>
    %select_n3A_549 = arith.select %and3A_544, %sub3A_546, %broadcast_in_dim3A_548 : vector<16xi1>, vector<16xi32>
    tpu.vector_store_idx %arg7[%select_n3A_549], %get3A_500 masked %and3A_544 : memref<31264xf32, #tpu.memory_space<vmem>>[vector<16xi32>], vector<16xf32>, vector<16xi1>
    %gt3A_550 = arith.constant 0 : i32
    %gt3A_551 = vector.broadcast %gt3A_550 : i32 to vector<16xi32>
    %gt3A_552 = arith.cmpi sgt, %max3A_498, %gt3A_551 : vector<16xi32>
    %ge3A_553 = vector.broadcast %add3A_510 : i32 to vector<16xi32>
    %ge3A_554 = arith.cmpi sge, %get3A_43, %ge3A_553 : vector<16xi32>
    %and3A_555 = arith.andi %gt3A_552, %ge3A_554 : vector<16xi1>
    %lt3A_556 = vector.broadcast %min3A : i32 to vector<16xi32>
    %lt3A_557 = arith.cmpi slt, %get3A_43, %lt3A_556 : vector<16xi32>
    %and3A_558 = arith.andi %and3A_555, %lt3A_557 : vector<16xi1>
    %sub3A_559 = vector.broadcast %multiple_of3A : i32 to vector<16xi32>
    %sub3A_560 = arith.subi %get3A_43, %sub3A_559 : vector<16xi32>
    %jit3A_561 = arith.constant 0 : i32
    %broadcast_in_dim3A_562 = vector.broadcast %jit3A_561 : i32 to vector<16xi32>
    %select_n3A_563 = arith.select %and3A_558, %sub3A_560, %broadcast_in_dim3A_562 : vector<16xi1>, vector<16xi32>
    tpu.vector_store_idx %arg7[%select_n3A_563], %get3A_500 masked %and3A_558 : memref<31264xf32, #tpu.memory_space<vmem>>[vector<16xi32>], vector<16xf32>, vector<16xi1>
    %add3A_564 = arith.constant 0 : i32
    %add3A_565 = arith.addi %multiple_of3A, %add3A_564 : i32
    %dma_start3A_566 = arith.constant 0 : i32
    %dma_start3A_567 = tpu.memref_slice %arg7[%dma_start3A_566] : memref<31264xf32, #tpu.memory_space<vmem>> -> memref<7816xf32, #tpu.memory_space<vmem>>
    %dma_start3A_568 = tpu.memref_slice %arg6[%add3A_565] : memref<1000000xf32, #tpu.memory_space<hbm>> -> memref<7816xf32, #tpu.memory_space<hbm>>
    %dma_start3A_569 = tpu.memref_slice %arg6[%add3A_565] : memref<1000000xf32, #tpu.memory_space<hbm>> -> memref<7816xf32, #tpu.memory_space<hbm>>
    %dma_start3A_570 = arith.constant 0 : i32
    %dma_start3A_571 = tpu.memref_slice %arg7[%dma_start3A_570] : memref<31264xf32, #tpu.memory_space<vmem>> -> memref<7816xf32, #tpu.memory_space<vmem>>
    tpu.enqueue_dma source(%dma_start3A_571 : memref<7816xf32, #tpu.memory_space<vmem>>) target(%dma_start3A_569 : memref<7816xf32, #tpu.memory_space<hbm>>) target_semaphore(%arg15 : memref<!tpu.dma_semaphore, #tpu.memory_space<semaphore_mem>>)
    %add3A_572 = arith.constant 7816 : i32
    %add3A_573 = arith.addi %multiple_of3A, %add3A_572 : i32
    %dma_wait3A_574 = arith.constant 7816 : i32
    %dma_wait3A_575 = tpu.memref_slice %arg7[%dma_wait3A_574] : memref<31264xf32, #tpu.memory_space<vmem>> -> memref<7816xf32, #tpu.memory_space<vmem>>
    %dma_wait3A_576 = tpu.memref_slice %arg5[%add3A_573] : memref<1000000xf32, #tpu.memory_space<hbm>> -> memref<7816xf32, #tpu.memory_space<hbm>>
    %dma_wait3A_577 = arith.constant 7816 : i32
    %dma_wait3A_578 = tpu.memref_slice %arg7[%dma_wait3A_577] : memref<31264xf32, #tpu.memory_space<vmem>> -> memref<7816xf32, #tpu.memory_space<vmem>>
    %dma_wait3A_579 = tpu.memref_slice %arg5[%add3A_573] : memref<1000000xf32, #tpu.memory_space<hbm>> -> memref<7816xf32, #tpu.memory_space<hbm>>
    tpu.wait_dma2 semaphore(%arg14 : memref<!tpu.dma_semaphore, #tpu.memory_space<semaphore_mem>>) src(%dma_wait3A_579 : memref<7816xf32, #tpu.memory_space<hbm>>) dst(%dma_wait3A_578 : memref<7816xf32, #tpu.memory_space<vmem>>)
    %add3A_580 = arith.constant 7816 : i32
    %add3A_581 = arith.addi %multiple_of3A, %add3A_580 : i32
    %add3A_582 = arith.constant 7816 : i32
    %add3A_583 = arith.addi %add3A_581, %add3A_582 : i32
    %min3A_584 = arith.minsi %add3A_583, %add3A_45 : i32
    %gt3A_585 = arith.constant 0 : i32
    %gt3A_586 = vector.broadcast %gt3A_585 : i32 to vector<16xi32>
    %gt3A_587 = arith.cmpi sgt, %max3A_261, %gt3A_586 : vector<16xi32>
    %ge3A_588 = vector.broadcast %add3A_581 : i32 to vector<16xi32>
    %ge3A_589 = arith.cmpi sge, %get3A_37, %ge3A_588 : vector<16xi32>
    %and3A_590 = arith.andi %gt3A_587, %ge3A_589 : vector<16xi1>
    %lt3A_591 = vector.broadcast %min3A_584 : i32 to vector<16xi32>
    %lt3A_592 = arith.cmpi slt, %get3A_37, %lt3A_591 : vector<16xi32>
    %and3A_593 = arith.andi %and3A_590, %lt3A_592 : vector<16xi1>
    %sub3A_594 = vector.broadcast %multiple_of3A : i32 to vector<16xi32>
    %sub3A_595 = arith.subi %get3A_37, %sub3A_594 : vector<16xi32>
    %jit3A_596 = arith.constant 0 : i32
    %broadcast_in_dim3A_597 = vector.broadcast %jit3A_596 : i32 to vector<16xi32>
    %select_n3A_598 = arith.select %and3A_593, %sub3A_595, %broadcast_in_dim3A_597 : vector<16xi1>, vector<16xi32>
    tpu.vector_store_idx %arg7[%select_n3A_598], %get3A_500 masked %and3A_593 : memref<31264xf32, #tpu.memory_space<vmem>>[vector<16xi32>], vector<16xf32>, vector<16xi1>
    %gt3A_599 = arith.constant 0 : i32
    %gt3A_600 = vector.broadcast %gt3A_599 : i32 to vector<16xi32>
    %gt3A_601 = arith.cmpi sgt, %max3A_340, %gt3A_600 : vector<16xi32>
    %ge3A_602 = vector.broadcast %add3A_581 : i32 to vector<16xi32>
    %ge3A_603 = arith.cmpi sge, %get3A_39, %ge3A_602 : vector<16xi32>
    %and3A_604 = arith.andi %gt3A_601, %ge3A_603 : vector<16xi1>
    %lt3A_605 = vector.broadcast %min3A_584 : i32 to vector<16xi32>
    %lt3A_606 = arith.cmpi slt, %get3A_39, %lt3A_605 : vector<16xi32>
    %and3A_607 = arith.andi %and3A_604, %lt3A_606 : vector<16xi1>
    %sub3A_608 = vector.broadcast %multiple_of3A : i32 to vector<16xi32>
    %sub3A_609 = arith.subi %get3A_39, %sub3A_608 : vector<16xi32>
    %jit3A_610 = arith.constant 0 : i32
    %broadcast_in_dim3A_611 = vector.broadcast %jit3A_610 : i32 to vector<16xi32>
    %select_n3A_612 = arith.select %and3A_607, %sub3A_609, %broadcast_in_dim3A_611 : vector<16xi1>, vector<16xi32>
    tpu.vector_store_idx %arg7[%select_n3A_612], %get3A_500 masked %and3A_607 : memref<31264xf32, #tpu.memory_space<vmem>>[vector<16xi32>], vector<16xf32>, vector<16xi1>
    %gt3A_613 = arith.constant 0 : i32
    %gt3A_614 = vector.broadcast %gt3A_613 : i32 to vector<16xi32>
    %gt3A_615 = arith.cmpi sgt, %max3A_419, %gt3A_614 : vector<16xi32>
    %ge3A_616 = vector.broadcast %add3A_581 : i32 to vector<16xi32>
    %ge3A_617 = arith.cmpi sge, %get3A_41, %ge3A_616 : vector<16xi32>
    %and3A_618 = arith.andi %gt3A_615, %ge3A_617 : vector<16xi1>
    %lt3A_619 = vector.broadcast %min3A_584 : i32 to vector<16xi32>
    %lt3A_620 = arith.cmpi slt, %get3A_41, %lt3A_619 : vector<16xi32>
    %and3A_621 = arith.andi %and3A_618, %lt3A_620 : vector<16xi1>
    %sub3A_622 = vector.broadcast %multiple_of3A : i32 to vector<16xi32>
    %sub3A_623 = arith.subi %get3A_41, %sub3A_622 : vector<16xi32>
    %jit3A_624 = arith.constant 0 : i32
    %broadcast_in_dim3A_625 = vector.broadcast %jit3A_624 : i32 to vector<16xi32>
    %select_n3A_626 = arith.select %and3A_621, %sub3A_623, %broadcast_in_dim3A_625 : vector<16xi1>, vector<16xi32>
    tpu.vector_store_idx %arg7[%select_n3A_626], %get3A_500 masked %and3A_621 : memref<31264xf32, #tpu.memory_space<vmem>>[vector<16xi32>], vector<16xf32>, vector<16xi1>
    %gt3A_627 = arith.constant 0 : i32
    %gt3A_628 = vector.broadcast %gt3A_627 : i32 to vector<16xi32>
    %gt3A_629 = arith.cmpi sgt, %max3A_498, %gt3A_628 : vector<16xi32>
    %ge3A_630 = vector.broadcast %add3A_581 : i32 to vector<16xi32>
    %ge3A_631 = arith.cmpi sge, %get3A_43, %ge3A_630 : vector<16xi32>
    %and3A_632 = arith.andi %gt3A_629, %ge3A_631 : vector<16xi1>
    %lt3A_633 = vector.broadcast %min3A_584 : i32 to vector<16xi32>
    %lt3A_634 = arith.cmpi slt, %get3A_43, %lt3A_633 : vector<16xi32>
    %and3A_635 = arith.andi %and3A_632, %lt3A_634 : vector<16xi1>
    %sub3A_636 = vector.broadcast %multiple_of3A : i32 to vector<16xi32>
    %sub3A_637 = arith.subi %get3A_43, %sub3A_636 : vector<16xi32>
    %jit3A_638 = arith.constant 0 : i32
    %broadcast_in_dim3A_639 = vector.broadcast %jit3A_638 : i32 to vector<16xi32>
    %select_n3A_640 = arith.select %and3A_635, %sub3A_637, %broadcast_in_dim3A_639 : vector<16xi1>, vector<16xi32>
    tpu.vector_store_idx %arg7[%select_n3A_640], %get3A_500 masked %and3A_635 : memref<31264xf32, #tpu.memory_space<vmem>>[vector<16xi32>], vector<16xf32>, vector<16xi1>
    %add3A_641 = arith.constant 7816 : i32
    %add3A_642 = arith.addi %multiple_of3A, %add3A_641 : i32
    %dma_start3A_643 = arith.constant 7816 : i32
    %dma_start3A_644 = tpu.memref_slice %arg7[%dma_start3A_643] : memref<31264xf32, #tpu.memory_space<vmem>> -> memref<7816xf32, #tpu.memory_space<vmem>>
    %dma_start3A_645 = tpu.memref_slice %arg6[%add3A_642] : memref<1000000xf32, #tpu.memory_space<hbm>> -> memref<7816xf32, #tpu.memory_space<hbm>>
    %dma_start3A_646 = tpu.memref_slice %arg6[%add3A_642] : memref<1000000xf32, #tpu.memory_space<hbm>> -> memref<7816xf32, #tpu.memory_space<hbm>>
    %dma_start3A_647 = arith.constant 7816 : i32
    %dma_start3A_648 = tpu.memref_slice %arg7[%dma_start3A_647] : memref<31264xf32, #tpu.memory_space<vmem>> -> memref<7816xf32, #tpu.memory_space<vmem>>
    tpu.enqueue_dma source(%dma_start3A_648 : memref<7816xf32, #tpu.memory_space<vmem>>) target(%dma_start3A_646 : memref<7816xf32, #tpu.memory_space<hbm>>) target_semaphore(%arg15 : memref<!tpu.dma_semaphore, #tpu.memory_space<semaphore_mem>>)
    %add3A_649 = arith.constant 15632 : i32
    %add3A_650 = arith.addi %multiple_of3A, %add3A_649 : i32
    %dma_wait3A_651 = arith.constant 15632 : i32
    %dma_wait3A_652 = tpu.memref_slice %arg7[%dma_wait3A_651] : memref<31264xf32, #tpu.memory_space<vmem>> -> memref<7816xf32, #tpu.memory_space<vmem>>
    %dma_wait3A_653 = tpu.memref_slice %arg5[%add3A_650] : memref<1000000xf32, #tpu.memory_space<hbm>> -> memref<7816xf32, #tpu.memory_space<hbm>>
    %dma_wait3A_654 = arith.constant 15632 : i32
    %dma_wait3A_655 = tpu.memref_slice %arg7[%dma_wait3A_654] : memref<31264xf32, #tpu.memory_space<vmem>> -> memref<7816xf32, #tpu.memory_space<vmem>>
    %dma_wait3A_656 = tpu.memref_slice %arg5[%add3A_650] : memref<1000000xf32, #tpu.memory_space<hbm>> -> memref<7816xf32, #tpu.memory_space<hbm>>
    tpu.wait_dma2 semaphore(%arg14 : memref<!tpu.dma_semaphore, #tpu.memory_space<semaphore_mem>>) src(%dma_wait3A_656 : memref<7816xf32, #tpu.memory_space<hbm>>) dst(%dma_wait3A_655 : memref<7816xf32, #tpu.memory_space<vmem>>)
    %add3A_657 = arith.constant 15632 : i32
    %add3A_658 = arith.addi %multiple_of3A, %add3A_657 : i32
    %add3A_659 = arith.constant 7816 : i32
    %add3A_660 = arith.addi %add3A_658, %add3A_659 : i32
    %min3A_661 = arith.minsi %add3A_660, %add3A_45 : i32
    %gt3A_662 = arith.constant 0 : i32
    %gt3A_663 = vector.broadcast %gt3A_662 : i32 to vector<16xi32>
    %gt3A_664 = arith.cmpi sgt, %max3A_261, %gt3A_663 : vector<16xi32>
    %ge3A_665 = vector.broadcast %add3A_658 : i32 to vector<16xi32>
    %ge3A_666 = arith.cmpi sge, %get3A_37, %ge3A_665 : vector<16xi32>
    %and3A_667 = arith.andi %gt3A_664, %ge3A_666 : vector<16xi1>
    %lt3A_668 = vector.broadcast %min3A_661 : i32 to vector<16xi32>
    %lt3A_669 = arith.cmpi slt, %get3A_37, %lt3A_668 : vector<16xi32>
    %and3A_670 = arith.andi %and3A_667, %lt3A_669 : vector<16xi1>
    %sub3A_671 = vector.broadcast %multiple_of3A : i32 to vector<16xi32>
    %sub3A_672 = arith.subi %get3A_37, %sub3A_671 : vector<16xi32>
    %jit3A_673 = arith.constant 0 : i32
    %broadcast_in_dim3A_674 = vector.broadcast %jit3A_673 : i32 to vector<16xi32>
    %select_n3A_675 = arith.select %and3A_670, %sub3A_672, %broadcast_in_dim3A_674 : vector<16xi1>, vector<16xi32>
    tpu.vector_store_idx %arg7[%select_n3A_675], %get3A_500 masked %and3A_670 : memref<31264xf32, #tpu.memory_space<vmem>>[vector<16xi32>], vector<16xf32>, vector<16xi1>
    %gt3A_676 = arith.constant 0 : i32
    %gt3A_677 = vector.broadcast %gt3A_676 : i32 to vector<16xi32>
    %gt3A_678 = arith.cmpi sgt, %max3A_340, %gt3A_677 : vector<16xi32>
    %ge3A_679 = vector.broadcast %add3A_658 : i32 to vector<16xi32>
    %ge3A_680 = arith.cmpi sge, %get3A_39, %ge3A_679 : vector<16xi32>
    %and3A_681 = arith.andi %gt3A_678, %ge3A_680 : vector<16xi1>
    %lt3A_682 = vector.broadcast %min3A_661 : i32 to vector<16xi32>
    %lt3A_683 = arith.cmpi slt, %get3A_39, %lt3A_682 : vector<16xi32>
    %and3A_684 = arith.andi %and3A_681, %lt3A_683 : vector<16xi1>
    %sub3A_685 = vector.broadcast %multiple_of3A : i32 to vector<16xi32>
    %sub3A_686 = arith.subi %get3A_39, %sub3A_685 : vector<16xi32>
    %jit3A_687 = arith.constant 0 : i32
    %broadcast_in_dim3A_688 = vector.broadcast %jit3A_687 : i32 to vector<16xi32>
    %select_n3A_689 = arith.select %and3A_684, %sub3A_686, %broadcast_in_dim3A_688 : vector<16xi1>, vector<16xi32>
    tpu.vector_store_idx %arg7[%select_n3A_689], %get3A_500 masked %and3A_684 : memref<31264xf32, #tpu.memory_space<vmem>>[vector<16xi32>], vector<16xf32>, vector<16xi1>
    %gt3A_690 = arith.constant 0 : i32
    %gt3A_691 = vector.broadcast %gt3A_690 : i32 to vector<16xi32>
    %gt3A_692 = arith.cmpi sgt, %max3A_419, %gt3A_691 : vector<16xi32>
    %ge3A_693 = vector.broadcast %add3A_658 : i32 to vector<16xi32>
    %ge3A_694 = arith.cmpi sge, %get3A_41, %ge3A_693 : vector<16xi32>
    %and3A_695 = arith.andi %gt3A_692, %ge3A_694 : vector<16xi1>
    %lt3A_696 = vector.broadcast %min3A_661 : i32 to vector<16xi32>
    %lt3A_697 = arith.cmpi slt, %get3A_41, %lt3A_696 : vector<16xi32>
    %and3A_698 = arith.andi %and3A_695, %lt3A_697 : vector<16xi1>
    %sub3A_699 = vector.broadcast %multiple_of3A : i32 to vector<16xi32>
    %sub3A_700 = arith.subi %get3A_41, %sub3A_699 : vector<16xi32>
    %jit3A_701 = arith.constant 0 : i32
    %broadcast_in_dim3A_702 = vector.broadcast %jit3A_701 : i32 to vector<16xi32>
    %select_n3A_703 = arith.select %and3A_698, %sub3A_700, %broadcast_in_dim3A_702 : vector<16xi1>, vector<16xi32>
    tpu.vector_store_idx %arg7[%select_n3A_703], %get3A_500 masked %and3A_698 : memref<31264xf32, #tpu.memory_space<vmem>>[vector<16xi32>], vector<16xf32>, vector<16xi1>
    %gt3A_704 = arith.constant 0 : i32
    %gt3A_705 = vector.broadcast %gt3A_704 : i32 to vector<16xi32>
    %gt3A_706 = arith.cmpi sgt, %max3A_498, %gt3A_705 : vector<16xi32>
    %ge3A_707 = vector.broadcast %add3A_658 : i32 to vector<16xi32>
    %ge3A_708 = arith.cmpi sge, %get3A_43, %ge3A_707 : vector<16xi32>
    %and3A_709 = arith.andi %gt3A_706, %ge3A_708 : vector<16xi1>
    %lt3A_710 = vector.broadcast %min3A_661 : i32 to vector<16xi32>
    %lt3A_711 = arith.cmpi slt, %get3A_43, %lt3A_710 : vector<16xi32>
    %and3A_712 = arith.andi %and3A_709, %lt3A_711 : vector<16xi1>
    %sub3A_713 = vector.broadcast %multiple_of3A : i32 to vector<16xi32>
    %sub3A_714 = arith.subi %get3A_43, %sub3A_713 : vector<16xi32>
    %jit3A_715 = arith.constant 0 : i32
    %broadcast_in_dim3A_716 = vector.broadcast %jit3A_715 : i32 to vector<16xi32>
    %select_n3A_717 = arith.select %and3A_712, %sub3A_714, %broadcast_in_dim3A_716 : vector<16xi1>, vector<16xi32>
    tpu.vector_store_idx %arg7[%select_n3A_717], %get3A_500 masked %and3A_712 : memref<31264xf32, #tpu.memory_space<vmem>>[vector<16xi32>], vector<16xf32>, vector<16xi1>
    %add3A_718 = arith.constant 15632 : i32
    %add3A_719 = arith.addi %multiple_of3A, %add3A_718 : i32
    %dma_start3A_720 = arith.constant 15632 : i32
    %dma_start3A_721 = tpu.memref_slice %arg7[%dma_start3A_720] : memref<31264xf32, #tpu.memory_space<vmem>> -> memref<7816xf32, #tpu.memory_space<vmem>>
    %dma_start3A_722 = tpu.memref_slice %arg6[%add3A_719] : memref<1000000xf32, #tpu.memory_space<hbm>> -> memref<7816xf32, #tpu.memory_space<hbm>>
    %dma_start3A_723 = tpu.memref_slice %arg6[%add3A_719] : memref<1000000xf32, #tpu.memory_space<hbm>> -> memref<7816xf32, #tpu.memory_space<hbm>>
    %dma_start3A_724 = arith.constant 15632 : i32
    %dma_start3A_725 = tpu.memref_slice %arg7[%dma_start3A_724] : memref<31264xf32, #tpu.memory_space<vmem>> -> memref<7816xf32, #tpu.memory_space<vmem>>
    tpu.enqueue_dma source(%dma_start3A_725 : memref<7816xf32, #tpu.memory_space<vmem>>) target(%dma_start3A_723 : memref<7816xf32, #tpu.memory_space<hbm>>) target_semaphore(%arg15 : memref<!tpu.dma_semaphore, #tpu.memory_space<semaphore_mem>>)
    %not3A_726 = arith.constant true
    %not3A_727 = arith.xori %eq3A_3, %not3A_726 : i1
    %convert_element_type3A_728 = arith.extui %not3A_727 : i1 to i32
    %cond3A_729 = arith.constant 0 : i32
    %cond3A_730 = arith.cmpi ne, %convert_element_type3A_728, %cond3A_729 : i32
    scf.if %cond3A_730 {
      %add3A_766 = arith.constant 23448 : i32
      %add3A_767 = arith.addi %multiple_of3A, %add3A_766 : i32
      %dma_wait3A_768 = arith.constant 23448 : i32
      %dma_wait3A_769 = tpu.memref_slice %arg7[%dma_wait3A_768] : memref<31264xf32, #tpu.memory_space<vmem>> -> memref<7816xf32, #tpu.memory_space<vmem>>
      %dma_wait3A_770 = tpu.memref_slice %arg5[%add3A_767] : memref<1000000xf32, #tpu.memory_space<hbm>> -> memref<7816xf32, #tpu.memory_space<hbm>>
      %dma_wait3A_771 = arith.constant 23448 : i32
      %dma_wait3A_772 = tpu.memref_slice %arg7[%dma_wait3A_771] : memref<31264xf32, #tpu.memory_space<vmem>> -> memref<7816xf32, #tpu.memory_space<vmem>>
      %dma_wait3A_773 = tpu.memref_slice %arg5[%add3A_767] : memref<1000000xf32, #tpu.memory_space<hbm>> -> memref<7816xf32, #tpu.memory_space<hbm>>
      tpu.wait_dma2 semaphore(%arg14 : memref<!tpu.dma_semaphore, #tpu.memory_space<semaphore_mem>>) src(%dma_wait3A_773 : memref<7816xf32, #tpu.memory_space<hbm>>) dst(%dma_wait3A_772 : memref<7816xf32, #tpu.memory_space<vmem>>)
      %add3A_774 = arith.constant 23448 : i32
      %add3A_775 = arith.addi %multiple_of3A, %add3A_774 : i32
      %add3A_776 = arith.constant 7816 : i32
      %add3A_777 = arith.addi %add3A_775, %add3A_776 : i32
      %min3A_778 = arith.minsi %add3A_777, %add3A_45 : i32
      %gt3A_779 = arith.constant 0 : i32
      %gt3A_780 = vector.broadcast %gt3A_779 : i32 to vector<16xi32>
      %gt3A_781 = arith.cmpi sgt, %max3A_261, %gt3A_780 : vector<16xi32>
      %ge3A_782 = vector.broadcast %add3A_775 : i32 to vector<16xi32>
      %ge3A_783 = arith.cmpi sge, %get3A_37, %ge3A_782 : vector<16xi32>
      %and3A_784 = arith.andi %gt3A_781, %ge3A_783 : vector<16xi1>
      %lt3A_785 = vector.broadcast %min3A_778 : i32 to vector<16xi32>
      %lt3A_786 = arith.cmpi slt, %get3A_37, %lt3A_785 : vector<16xi32>
      %and3A_787 = arith.andi %and3A_784, %lt3A_786 : vector<16xi1>
      %sub3A_788 = vector.broadcast %multiple_of3A : i32 to vector<16xi32>
      %sub3A_789 = arith.subi %get3A_37, %sub3A_788 : vector<16xi32>
      %jit3A_790 = arith.constant 0 : i32
      %broadcast_in_dim3A_791 = vector.broadcast %jit3A_790 : i32 to vector<16xi32>
      %select_n3A_792 = arith.select %and3A_787, %sub3A_789, %broadcast_in_dim3A_791 : vector<16xi1>, vector<16xi32>
      tpu.vector_store_idx %arg7[%select_n3A_792], %get3A_500 masked %and3A_787 : memref<31264xf32, #tpu.memory_space<vmem>>[vector<16xi32>], vector<16xf32>, vector<16xi1>
      %gt3A_793 = arith.constant 0 : i32
      %gt3A_794 = vector.broadcast %gt3A_793 : i32 to vector<16xi32>
      %gt3A_795 = arith.cmpi sgt, %max3A_340, %gt3A_794 : vector<16xi32>
      %ge3A_796 = vector.broadcast %add3A_775 : i32 to vector<16xi32>
      %ge3A_797 = arith.cmpi sge, %get3A_39, %ge3A_796 : vector<16xi32>
      %and3A_798 = arith.andi %gt3A_795, %ge3A_797 : vector<16xi1>
      %lt3A_799 = vector.broadcast %min3A_778 : i32 to vector<16xi32>
      %lt3A_800 = arith.cmpi slt, %get3A_39, %lt3A_799 : vector<16xi32>
      %and3A_801 = arith.andi %and3A_798, %lt3A_800 : vector<16xi1>
      %sub3A_802 = vector.broadcast %multiple_of3A : i32 to vector<16xi32>
      %sub3A_803 = arith.subi %get3A_39, %sub3A_802 : vector<16xi32>
      %jit3A_804 = arith.constant 0 : i32
      %broadcast_in_dim3A_805 = vector.broadcast %jit3A_804 : i32 to vector<16xi32>
      %select_n3A_806 = arith.select %and3A_801, %sub3A_803, %broadcast_in_dim3A_805 : vector<16xi1>, vector<16xi32>
      tpu.vector_store_idx %arg7[%select_n3A_806], %get3A_500 masked %and3A_801 : memref<31264xf32, #tpu.memory_space<vmem>>[vector<16xi32>], vector<16xf32>, vector<16xi1>
      %gt3A_807 = arith.constant 0 : i32
      %gt3A_808 = vector.broadcast %gt3A_807 : i32 to vector<16xi32>
      %gt3A_809 = arith.cmpi sgt, %max3A_419, %gt3A_808 : vector<16xi32>
      %ge3A_810 = vector.broadcast %add3A_775 : i32 to vector<16xi32>
      %ge3A_811 = arith.cmpi sge, %get3A_41, %ge3A_810 : vector<16xi32>
      %and3A_812 = arith.andi %gt3A_809, %ge3A_811 : vector<16xi1>
      %lt3A_813 = vector.broadcast %min3A_778 : i32 to vector<16xi32>
      %lt3A_814 = arith.cmpi slt, %get3A_41, %lt3A_813 : vector<16xi32>
      %and3A_815 = arith.andi %and3A_812, %lt3A_814 : vector<16xi1>
      %sub3A_816 = vector.broadcast %multiple_of3A : i32 to vector<16xi32>
      %sub3A_817 = arith.subi %get3A_41, %sub3A_816 : vector<16xi32>
      %jit3A_818 = arith.constant 0 : i32
      %broadcast_in_dim3A_819 = vector.broadcast %jit3A_818 : i32 to vector<16xi32>
      %select_n3A_820 = arith.select %and3A_815, %sub3A_817, %broadcast_in_dim3A_819 : vector<16xi1>, vector<16xi32>
      tpu.vector_store_idx %arg7[%select_n3A_820], %get3A_500 masked %and3A_815 : memref<31264xf32, #tpu.memory_space<vmem>>[vector<16xi32>], vector<16xf32>, vector<16xi1>
      %gt3A_821 = arith.constant 0 : i32
      %gt3A_822 = vector.broadcast %gt3A_821 : i32 to vector<16xi32>
      %gt3A_823 = arith.cmpi sgt, %max3A_498, %gt3A_822 : vector<16xi32>
      %ge3A_824 = vector.broadcast %add3A_775 : i32 to vector<16xi32>
      %ge3A_825 = arith.cmpi sge, %get3A_43, %ge3A_824 : vector<16xi32>
      %and3A_826 = arith.andi %gt3A_823, %ge3A_825 : vector<16xi1>
      %lt3A_827 = vector.broadcast %min3A_778 : i32 to vector<16xi32>
      %lt3A_828 = arith.cmpi slt, %get3A_43, %lt3A_827 : vector<16xi32>
      %and3A_829 = arith.andi %and3A_826, %lt3A_828 : vector<16xi1>
      %sub3A_830 = vector.broadcast %multiple_of3A : i32 to vector<16xi32>
      %sub3A_831 = arith.subi %get3A_43, %sub3A_830 : vector<16xi32>
      %jit3A_832 = arith.constant 0 : i32
      %broadcast_in_dim3A_833 = vector.broadcast %jit3A_832 : i32 to vector<16xi32>
      %select_n3A_834 = arith.select %and3A_829, %sub3A_831, %broadcast_in_dim3A_833 : vector<16xi1>, vector<16xi32>
      tpu.vector_store_idx %arg7[%select_n3A_834], %get3A_500 masked %and3A_829 : memref<31264xf32, #tpu.memory_space<vmem>>[vector<16xi32>], vector<16xf32>, vector<16xi1>
      %add3A_835 = arith.constant 23448 : i32
      %add3A_836 = arith.addi %multiple_of3A, %add3A_835 : i32
      %dma_start3A_837 = arith.constant 23448 : i32
      %dma_start3A_838 = tpu.memref_slice %arg7[%dma_start3A_837] : memref<31264xf32, #tpu.memory_space<vmem>> -> memref<7816xf32, #tpu.memory_space<vmem>>
      %dma_start3A_839 = tpu.memref_slice %arg6[%add3A_836] : memref<1000000xf32, #tpu.memory_space<hbm>> -> memref<7816xf32, #tpu.memory_space<hbm>>
      %dma_start3A_840 = tpu.memref_slice %arg6[%add3A_836] : memref<1000000xf32, #tpu.memory_space<hbm>> -> memref<7816xf32, #tpu.memory_space<hbm>>
      %dma_start3A_841 = arith.constant 23448 : i32
      %dma_start3A_842 = tpu.memref_slice %arg7[%dma_start3A_841] : memref<31264xf32, #tpu.memory_space<vmem>> -> memref<7816xf32, #tpu.memory_space<vmem>>
      tpu.enqueue_dma source(%dma_start3A_842 : memref<7816xf32, #tpu.memory_space<vmem>>) target(%dma_start3A_840 : memref<7816xf32, #tpu.memory_space<hbm>>) target_semaphore(%arg15 : memref<!tpu.dma_semaphore, #tpu.memory_space<semaphore_mem>>)
    } else {
    }
    %convert_element_type3A_731 = arith.extui %eq3A_3 : i1 to i32
    %cond3A_732 = arith.constant 0 : i32
    %cond3A_733 = arith.cmpi ne, %convert_element_type3A_731, %cond3A_732 : i32
    scf.if %cond3A_733 {
      %add3A_766 = arith.constant 23448 : i32
      %add3A_767 = arith.addi %multiple_of3A, %add3A_766 : i32
      %dma_wait3A_768 = arith.constant 23448 : i32
      %dma_wait3A_769 = tpu.memref_slice %arg7[%dma_wait3A_768] : memref<31264xf32, #tpu.memory_space<vmem>> -> memref<7368xf32, #tpu.memory_space<vmem>>
      %dma_wait3A_770 = tpu.memref_slice %arg5[%add3A_767] : memref<1000000xf32, #tpu.memory_space<hbm>> -> memref<7368xf32, #tpu.memory_space<hbm>>
      %dma_wait3A_771 = arith.constant 23448 : i32
      %dma_wait3A_772 = tpu.memref_slice %arg7[%dma_wait3A_771] : memref<31264xf32, #tpu.memory_space<vmem>> -> memref<7368xf32, #tpu.memory_space<vmem>>
      %dma_wait3A_773 = tpu.memref_slice %arg5[%add3A_767] : memref<1000000xf32, #tpu.memory_space<hbm>> -> memref<7368xf32, #tpu.memory_space<hbm>>
      tpu.wait_dma2 semaphore(%arg14 : memref<!tpu.dma_semaphore, #tpu.memory_space<semaphore_mem>>) src(%dma_wait3A_773 : memref<7368xf32, #tpu.memory_space<hbm>>) dst(%dma_wait3A_772 : memref<7368xf32, #tpu.memory_space<vmem>>)
      %add3A_774 = arith.constant 23448 : i32
      %add3A_775 = arith.addi %multiple_of3A, %add3A_774 : i32
      %add3A_776 = arith.constant 7816 : i32
      %add3A_777 = arith.addi %add3A_775, %add3A_776 : i32
      %min3A_778 = arith.minsi %add3A_777, %add3A_45 : i32
      %gt3A_779 = arith.constant 0 : i32
      %gt3A_780 = vector.broadcast %gt3A_779 : i32 to vector<16xi32>
      %gt3A_781 = arith.cmpi sgt, %max3A_261, %gt3A_780 : vector<16xi32>
      %ge3A_782 = vector.broadcast %add3A_775 : i32 to vector<16xi32>
      %ge3A_783 = arith.cmpi sge, %get3A_37, %ge3A_782 : vector<16xi32>
      %and3A_784 = arith.andi %gt3A_781, %ge3A_783 : vector<16xi1>
      %lt3A_785 = vector.broadcast %min3A_778 : i32 to vector<16xi32>
      %lt3A_786 = arith.cmpi slt, %get3A_37, %lt3A_785 : vector<16xi32>
      %and3A_787 = arith.andi %and3A_784, %lt3A_786 : vector<16xi1>
      %sub3A_788 = vector.broadcast %multiple_of3A : i32 to vector<16xi32>
      %sub3A_789 = arith.subi %get3A_37, %sub3A_788 : vector<16xi32>
      %jit3A_790 = arith.constant 0 : i32
      %broadcast_in_dim3A_791 = vector.broadcast %jit3A_790 : i32 to vector<16xi32>
      %select_n3A_792 = arith.select %and3A_787, %sub3A_789, %broadcast_in_dim3A_791 : vector<16xi1>, vector<16xi32>
      tpu.vector_store_idx %arg7[%select_n3A_792], %get3A_500 masked %and3A_787 : memref<31264xf32, #tpu.memory_space<vmem>>[vector<16xi32>], vector<16xf32>, vector<16xi1>
      %gt3A_793 = arith.constant 0 : i32
      %gt3A_794 = vector.broadcast %gt3A_793 : i32 to vector<16xi32>
      %gt3A_795 = arith.cmpi sgt, %max3A_340, %gt3A_794 : vector<16xi32>
      %ge3A_796 = vector.broadcast %add3A_775 : i32 to vector<16xi32>
      %ge3A_797 = arith.cmpi sge, %get3A_39, %ge3A_796 : vector<16xi32>
      %and3A_798 = arith.andi %gt3A_795, %ge3A_797 : vector<16xi1>
      %lt3A_799 = vector.broadcast %min3A_778 : i32 to vector<16xi32>
      %lt3A_800 = arith.cmpi slt, %get3A_39, %lt3A_799 : vector<16xi32>
      %and3A_801 = arith.andi %and3A_798, %lt3A_800 : vector<16xi1>
      %sub3A_802 = vector.broadcast %multiple_of3A : i32 to vector<16xi32>
      %sub3A_803 = arith.subi %get3A_39, %sub3A_802 : vector<16xi32>
      %jit3A_804 = arith.constant 0 : i32
      %broadcast_in_dim3A_805 = vector.broadcast %jit3A_804 : i32 to vector<16xi32>
      %select_n3A_806 = arith.select %and3A_801, %sub3A_803, %broadcast_in_dim3A_805 : vector<16xi1>, vector<16xi32>
      tpu.vector_store_idx %arg7[%select_n3A_806], %get3A_500 masked %and3A_801 : memref<31264xf32, #tpu.memory_space<vmem>>[vector<16xi32>], vector<16xf32>, vector<16xi1>
      %gt3A_807 = arith.constant 0 : i32
      %gt3A_808 = vector.broadcast %gt3A_807 : i32 to vector<16xi32>
      %gt3A_809 = arith.cmpi sgt, %max3A_419, %gt3A_808 : vector<16xi32>
      %ge3A_810 = vector.broadcast %add3A_775 : i32 to vector<16xi32>
      %ge3A_811 = arith.cmpi sge, %get3A_41, %ge3A_810 : vector<16xi32>
      %and3A_812 = arith.andi %gt3A_809, %ge3A_811 : vector<16xi1>
      %lt3A_813 = vector.broadcast %min3A_778 : i32 to vector<16xi32>
      %lt3A_814 = arith.cmpi slt, %get3A_41, %lt3A_813 : vector<16xi32>
      %and3A_815 = arith.andi %and3A_812, %lt3A_814 : vector<16xi1>
      %sub3A_816 = vector.broadcast %multiple_of3A : i32 to vector<16xi32>
      %sub3A_817 = arith.subi %get3A_41, %sub3A_816 : vector<16xi32>
      %jit3A_818 = arith.constant 0 : i32
      %broadcast_in_dim3A_819 = vector.broadcast %jit3A_818 : i32 to vector<16xi32>
      %select_n3A_820 = arith.select %and3A_815, %sub3A_817, %broadcast_in_dim3A_819 : vector<16xi1>, vector<16xi32>
      tpu.vector_store_idx %arg7[%select_n3A_820], %get3A_500 masked %and3A_815 : memref<31264xf32, #tpu.memory_space<vmem>>[vector<16xi32>], vector<16xf32>, vector<16xi1>
      %gt3A_821 = arith.constant 0 : i32
      %gt3A_822 = vector.broadcast %gt3A_821 : i32 to vector<16xi32>
      %gt3A_823 = arith.cmpi sgt, %max3A_498, %gt3A_822 : vector<16xi32>
      %ge3A_824 = vector.broadcast %add3A_775 : i32 to vector<16xi32>
      %ge3A_825 = arith.cmpi sge, %get3A_43, %ge3A_824 : vector<16xi32>
      %and3A_826 = arith.andi %gt3A_823, %ge3A_825 : vector<16xi1>
      %lt3A_827 = vector.broadcast %min3A_778 : i32 to vector<16xi32>
      %lt3A_828 = arith.cmpi slt, %get3A_43, %lt3A_827 : vector<16xi32>
      %and3A_829 = arith.andi %and3A_826, %lt3A_828 : vector<16xi1>
      %sub3A_830 = vector.broadcast %multiple_of3A : i32 to vector<16xi32>
      %sub3A_831 = arith.subi %get3A_43, %sub3A_830 : vector<16xi32>
      %jit3A_832 = arith.constant 0 : i32
      %broadcast_in_dim3A_833 = vector.broadcast %jit3A_832 : i32 to vector<16xi32>
      %select_n3A_834 = arith.select %and3A_829, %sub3A_831, %broadcast_in_dim3A_833 : vector<16xi1>, vector<16xi32>
      tpu.vector_store_idx %arg7[%select_n3A_834], %get3A_500 masked %and3A_829 : memref<31264xf32, #tpu.memory_space<vmem>>[vector<16xi32>], vector<16xf32>, vector<16xi1>
      %add3A_835 = arith.constant 23448 : i32
      %add3A_836 = arith.addi %multiple_of3A, %add3A_835 : i32
      %dma_start3A_837 = arith.constant 23448 : i32
      %dma_start3A_838 = tpu.memref_slice %arg7[%dma_start3A_837] : memref<31264xf32, #tpu.memory_space<vmem>> -> memref<7368xf32, #tpu.memory_space<vmem>>
      %dma_start3A_839 = tpu.memref_slice %arg6[%add3A_836] : memref<1000000xf32, #tpu.memory_space<hbm>> -> memref<7368xf32, #tpu.memory_space<hbm>>
      %dma_start3A_840 = tpu.memref_slice %arg6[%add3A_836] : memref<1000000xf32, #tpu.memory_space<hbm>> -> memref<7368xf32, #tpu.memory_space<hbm>>
      %dma_start3A_841 = arith.constant 23448 : i32
      %dma_start3A_842 = tpu.memref_slice %arg7[%dma_start3A_841] : memref<31264xf32, #tpu.memory_space<vmem>> -> memref<7368xf32, #tpu.memory_space<vmem>>
      tpu.enqueue_dma source(%dma_start3A_842 : memref<7368xf32, #tpu.memory_space<vmem>>) target(%dma_start3A_840 : memref<7368xf32, #tpu.memory_space<hbm>>) target_semaphore(%arg15 : memref<!tpu.dma_semaphore, #tpu.memory_space<semaphore_mem>>)
    } else {
    }
    %add3A_734 = arith.constant 0 : i32
    %add3A_735 = arith.addi %multiple_of3A, %add3A_734 : i32
    %dma_wait3A_736 = arith.constant 0 : i32
    %dma_wait3A_737 = tpu.memref_slice %arg7[%dma_wait3A_736] : memref<31264xf32, #tpu.memory_space<vmem>> -> memref<7816xf32, #tpu.memory_space<vmem>>
    %dma_wait3A_738 = tpu.memref_slice %arg6[%add3A_735] : memref<1000000xf32, #tpu.memory_space<hbm>> -> memref<7816xf32, #tpu.memory_space<hbm>>
    %dma_wait3A_739 = tpu.memref_slice %arg6[%add3A_735] : memref<1000000xf32, #tpu.memory_space<hbm>> -> memref<7816xf32, #tpu.memory_space<hbm>>
    %dma_wait3A_740 = arith.constant 0 : i32
    %dma_wait3A_741 = tpu.memref_slice %arg7[%dma_wait3A_740] : memref<31264xf32, #tpu.memory_space<vmem>> -> memref<7816xf32, #tpu.memory_space<vmem>>
    tpu.wait_dma2 semaphore(%arg15 : memref<!tpu.dma_semaphore, #tpu.memory_space<semaphore_mem>>) src(%dma_wait3A_741 : memref<7816xf32, #tpu.memory_space<vmem>>) dst(%dma_wait3A_739 : memref<7816xf32, #tpu.memory_space<hbm>>)
    %add3A_742 = arith.constant 7816 : i32
    %add3A_743 = arith.addi %multiple_of3A, %add3A_742 : i32
    %dma_wait3A_744 = arith.constant 7816 : i32
    %dma_wait3A_745 = tpu.memref_slice %arg7[%dma_wait3A_744] : memref<31264xf32, #tpu.memory_space<vmem>> -> memref<7816xf32, #tpu.memory_space<vmem>>
    %dma_wait3A_746 = tpu.memref_slice %arg6[%add3A_743] : memref<1000000xf32, #tpu.memory_space<hbm>> -> memref<7816xf32, #tpu.memory_space<hbm>>
    %dma_wait3A_747 = tpu.memref_slice %arg6[%add3A_743] : memref<1000000xf32, #tpu.memory_space<hbm>> -> memref<7816xf32, #tpu.memory_space<hbm>>
    %dma_wait3A_748 = arith.constant 7816 : i32
    %dma_wait3A_749 = tpu.memref_slice %arg7[%dma_wait3A_748] : memref<31264xf32, #tpu.memory_space<vmem>> -> memref<7816xf32, #tpu.memory_space<vmem>>
    tpu.wait_dma2 semaphore(%arg15 : memref<!tpu.dma_semaphore, #tpu.memory_space<semaphore_mem>>) src(%dma_wait3A_749 : memref<7816xf32, #tpu.memory_space<vmem>>) dst(%dma_wait3A_747 : memref<7816xf32, #tpu.memory_space<hbm>>)
    %add3A_750 = arith.constant 15632 : i32
    %add3A_751 = arith.addi %multiple_of3A, %add3A_750 : i32
    %dma_wait3A_752 = arith.constant 15632 : i32
    %dma_wait3A_753 = tpu.memref_slice %arg7[%dma_wait3A_752] : memref<31264xf32, #tpu.memory_space<vmem>> -> memref<7816xf32, #tpu.memory_space<vmem>>
    %dma_wait3A_754 = tpu.memref_slice %arg6[%add3A_751] : memref<1000000xf32, #tpu.memory_space<hbm>> -> memref<7816xf32, #tpu.memory_space<hbm>>
    %dma_wait3A_755 = tpu.memref_slice %arg6[%add3A_751] : memref<1000000xf32, #tpu.memory_space<hbm>> -> memref<7816xf32, #tpu.memory_space<hbm>>
    %dma_wait3A_756 = arith.constant 15632 : i32
    %dma_wait3A_757 = tpu.memref_slice %arg7[%dma_wait3A_756] : memref<31264xf32, #tpu.memory_space<vmem>> -> memref<7816xf32, #tpu.memory_space<vmem>>
    tpu.wait_dma2 semaphore(%arg15 : memref<!tpu.dma_semaphore, #tpu.memory_space<semaphore_mem>>) src(%dma_wait3A_757 : memref<7816xf32, #tpu.memory_space<vmem>>) dst(%dma_wait3A_755 : memref<7816xf32, #tpu.memory_space<hbm>>)
    %not3A_758 = arith.constant true
    %not3A_759 = arith.xori %eq3A_3, %not3A_758 : i1
    %convert_element_type3A_760 = arith.extui %not3A_759 : i1 to i32
    %cond3A_761 = arith.constant 0 : i32
    %cond3A_762 = arith.cmpi ne, %convert_element_type3A_760, %cond3A_761 : i32
    scf.if %cond3A_762 {
      %add3A_766 = arith.constant 23448 : i32
      %add3A_767 = arith.addi %multiple_of3A, %add3A_766 : i32
      %dma_wait3A_768 = arith.constant 23448 : i32
      %dma_wait3A_769 = tpu.memref_slice %arg7[%dma_wait3A_768] : memref<31264xf32, #tpu.memory_space<vmem>> -> memref<7816xf32, #tpu.memory_space<vmem>>
      %dma_wait3A_770 = tpu.memref_slice %arg6[%add3A_767] : memref<1000000xf32, #tpu.memory_space<hbm>> -> memref<7816xf32, #tpu.memory_space<hbm>>
      %dma_wait3A_771 = tpu.memref_slice %arg6[%add3A_767] : memref<1000000xf32, #tpu.memory_space<hbm>> -> memref<7816xf32, #tpu.memory_space<hbm>>
      %dma_wait3A_772 = arith.constant 23448 : i32
      %dma_wait3A_773 = tpu.memref_slice %arg7[%dma_wait3A_772] : memref<31264xf32, #tpu.memory_space<vmem>> -> memref<7816xf32, #tpu.memory_space<vmem>>
      tpu.wait_dma2 semaphore(%arg15 : memref<!tpu.dma_semaphore, #tpu.memory_space<semaphore_mem>>) src(%dma_wait3A_773 : memref<7816xf32, #tpu.memory_space<vmem>>) dst(%dma_wait3A_771 : memref<7816xf32, #tpu.memory_space<hbm>>)
    } else {
    }
    %convert_element_type3A_763 = arith.extui %eq3A_3 : i1 to i32
    %cond3A_764 = arith.constant 0 : i32
    %cond3A_765 = arith.cmpi ne, %convert_element_type3A_763, %cond3A_764 : i32
    scf.if %cond3A_765 {
      %add3A_766 = arith.constant 23448 : i32
      %add3A_767 = arith.addi %multiple_of3A, %add3A_766 : i32
      %dma_wait3A_768 = arith.constant 23448 : i32
      %dma_wait3A_769 = tpu.memref_slice %arg7[%dma_wait3A_768] : memref<31264xf32, #tpu.memory_space<vmem>> -> memref<7368xf32, #tpu.memory_space<vmem>>
      %dma_wait3A_770 = tpu.memref_slice %arg6[%add3A_767] : memref<1000000xf32, #tpu.memory_space<hbm>> -> memref<7368xf32, #tpu.memory_space<hbm>>
      %dma_wait3A_771 = tpu.memref_slice %arg6[%add3A_767] : memref<1000000xf32, #tpu.memory_space<hbm>> -> memref<7368xf32, #tpu.memory_space<hbm>>
      %dma_wait3A_772 = arith.constant 23448 : i32
      %dma_wait3A_773 = tpu.memref_slice %arg7[%dma_wait3A_772] : memref<31264xf32, #tpu.memory_space<vmem>> -> memref<7368xf32, #tpu.memory_space<vmem>>
      tpu.wait_dma2 semaphore(%arg15 : memref<!tpu.dma_semaphore, #tpu.memory_space<semaphore_mem>>) src(%dma_wait3A_773 : memref<7368xf32, #tpu.memory_space<vmem>>) dst(%dma_wait3A_771 : memref<7368xf32, #tpu.memory_space<hbm>>)
    } else {
    }
    return
  }
}

</mosaic_0001>

<sc_bundles>
// kernel: kernel.3.cloned.1.call-start
scs
__scs_entry_jumppad:
0x0: {  	(pc) =	sbr.rel $0x88, $3  }
0x1: {  	(tag) =	ssettag $0x0;
	lr =	simm.s32 $0x1  }
0x2: {  	[smem:$0x3F9D] =	sst lr;
	_ =	strace $0xD0000000  }
0x3: {  	_ = 	snop  }
0x4: {  	_ = 	snop  }
0x5: {  	_ = 	snop  }
0x6: {  	_ = 	snop  }
0x7: {  	_ = 	snop  }
__scs_overlays_trampoline_lowered:
0x8: {  	[smem:$0x3FAC] =	sst s0  }
0x9: {  	[smem:$0x3FAD] =	sst s1  }
0xa: {  	[smem:$0x3FAE] =	sst s2  }
0xb: {  	[smem:$0x3FAF] =	sst s3  }
0xc: {  	[smem:$0x3FB0] =	sst s4  }
0xd: {  	[smem:$0x3FB1] =	sst s5  }
0xe: {  	[smem:$0x3FB2] =	sst s6  }
0xf: {  	[smem:$0x3FB3] =	sst s7  }
0x10: {  	[smem:$0x3FB4] =	sst s8  }
0x11: {  	[smem:$0x3FB5] =	sst s9;
	s0 =	simm.s32 @!p0 $0x0  }
0x12: {  	s1 =	sld [smem:$0x3F9B];
	s0 =	simm.s32 @p0 $0x1  }
0x13: {  	[smem:$0x3FB6] =	sst s0;
	s0 =	simm.s32 @!p1 $0x0  }
0x14: {  	s2 =	sld [smem:$0x3F9A];
	s0 =	simm.s32 @p1 $0x1  }
0x15: {  	[smem:$0x3FB7] =	sst s0;
	s0 =	simm.s32 @!p2 $0x0  }
0x16: {  	s3 =	sld [smem:$0x3FDB];
	s0 =	simm.s32 @p2 $0x1  }
0x17: {  	s4 =	simm.s32 $0x1BF5;
	[smem:$0x3FB9] =	sst s0  }
0x18: {  	s0 =	sld [smem:$0x3F9C];
	_ =	swait.ge [sflag:s4], $0x0  }
0x19: {  	s7 =	sld [smem:$0x3F9D]  }
0x1a: {  	s8 =	sadd.s32 $0xFFFFE003, lr  }
0x1b: {  	s9 =	sadd.s32 $0xFFFFFEF7, lr;
	s5 =	simm.s32 $0xFFFFFFFF;
	p2 =	slt.u32 s8, $0xFFFFF086  }
0x1c: {  	p1 =	slt.u32 s9, $0xF7A;
	s5 =	simm.s32 @!p2 $0x0  }
0x1d: {  	s5 =	simm.s32 @p1 $0x1;
	p0 =	seq.s32 s7, s2  }
0x1e: {  	s7 =	smul.u32 @!p0 $0xF7A, s2;
	p2 =	seq.s32 @!p0 s5, $0x0  }
0x1f: {  	s9 =	smul.u32 $0xF7A, s1;
	s8 =	simm.s32 @!p0 $0x1BF5;
	p2 =	por !p2, p0  }
0x20: {  	[sflag:s8] =	ssyncset.s32 @!p0 $0xFFFFF086;
	s6 =	sadd.s32 @!p0 s3, s7;
	s7 =	simm.s32 @!p0 $0x108  }
0x21: {  	s3 =	sadd.s32 s3, s9;
	s6 =	sadd.s32 @!p0 $0x88, s6;
	s7 =	simm.s32 @p2 $0x1082  }
0x22: {  	[simem:s7], [sflag:s8] =	dma.local @!p0 [hbm:s6], $0xF7A  }
0x23: {  	s9 =	sor.u32 $0xD0000000, s2;
	s6 =	simm.s32 $0x108;
	_ =	swait.ge @!p0 [sflag:s8], $0x0  }
0x24: {  	s3 =	sadd.s32 $0x88, s3;
	s6 =	simm.s32 @!p1 $0x1082;
	[sflag:s4] =	ssyncset.s32 $0xFFFFF086  }
0x25: {  	[simem:s6], [sflag:s4] =	dma.local [hbm:s3], $0xF7A  }
0x26: {  	[smem:$0x3F9D] =	sst s1;
	(tag) =	ssettag s2;
	_ =	strace s9  }
0x27: {  	s1 =	sld [smem:$0x3FAD]  }
0x28: {  	s2 =	sld [smem:$0x3FAE]  }
0x29: {  	s4 =	sld [smem:$0x3FB0]  }
0x2a: {  	p0 =	seq.s32 s5, $0x0;
	s5 =	sld [smem:$0x3FB1]  }
0x2b: {  	s6 =	sld [smem:$0x3FB2]  }
0x2c: {  	s7 =	sld [smem:$0x3FB3]  }
0x2d: {  	s3 =	simm.s32 $0x108;
	s8 =	sld [smem:$0x3FB4]  }
0x2e: {  	s3 =	simm.s32 @!p0 $0x1082;
	s9 =	sld [smem:$0x3FB5]  }
0x2f: {  	lr =	sadd.s32 s0, s3;
	s0 =	sld [smem:$0x3FAC]  }
0x30: {  	s3 =	sld [smem:$0x3FAF]  }
0x31: {  	[smem:$0x3FB8] =	sst s10  }
0x32: {  	s10 =	sld [smem:$0x3FB6];
	_ =	sdelay $0x3  }
0x33: {  	p0 =	seq.s32 s10, $0x1;
	s10 =	sld [smem:$0x3FB8];
	_ =	sdelay $0x3  }
0x34: {  	[smem:$0x3FB8] =	sst s10  }
0x35: {  	s10 =	sld [smem:$0x3FB7];
	_ =	sdelay $0x3  }
0x36: {  	p1 =	seq.s32 s10, $0x1;
	s10 =	sld [smem:$0x3FB8];
	_ =	sdelay $0x3  }
0x37: {  	[smem:$0x3FB8] =	sst s10  }
0x38: {  	s10 =	sld [smem:$0x3FB9]  }
0x39: {  	_ = 	snop;
	(pc) =	sbr.ind lr, $3  }
0x3a: {  	_ = 	snop  }
0x3b: {  	_ = 	snop  }
0x3c: {  	p2 =	seq.s32 s10, $0x1;
	s10 =	sld [smem:$0x3FB8]  }
0x3d: {  	_ =	shalt  }
0x3e: {  	_ =	shalt  }
0x3f: {  	_ =	shalt  }
0x40: {  	_ =	shalt  }
0x41: {  	_ =	shalt  }
0x42: {  	_ =	shalt  }
0x43: {  	_ =	shalt  }
0x44: {  	_ =	shalt  }
0x45: {  	_ =	shalt  }
0x46: {  	_ =	shalt  }
0x47: {  	_ =	shalt  }
0x48: {  	_ =	shalt  }
0x49: {  	_ =	shalt  }
0x4a: {  	_ =	shalt  }
0x4b: {  	_ =	shalt  }
0x4c: {  	_ =	shalt  }
0x4d: {  	_ =	shalt  }
0x4e: {  	_ =	shalt  }
0x4f: {  	_ =	shalt  }
0x50: {  	_ =	shalt  }
0x51: {  	_ =	shalt  }
0x52: {  	_ =	shalt  }
0x53: {  	_ =	shalt  }
0x54: {  	_ =	shalt  }
0x55: {  	_ =	shalt  }
0x56: {  	_ =	shalt  }
0x57: {  	_ =	shalt  }
0x58: {  	_ =	shalt  }
0x59: {  	_ =	shalt  }
0x5a: {  	_ =	shalt  }
0x5b: {  	_ =	shalt  }
0x5c: {  	_ =	shalt  }
0x5d: {  	_ =	shalt  }
0x5e: {  	_ =	shalt  }
0x5f: {  	_ =	shalt  }
0x60: {  	_ =	shalt  }
0x61: {  	_ =	shalt  }
0x62: {  	_ =	shalt  }
0x63: {  	_ =	shalt  }
0x64: {  	_ =	shalt  }
0x65: {  	_ =	shalt  }
0x66: {  	_ =	shalt  }
0x67: {  	_ =	shalt  }
0x68: {  	_ =	shalt  }
0x69: {  	_ =	shalt  }
0x6a: {  	_ =	shalt  }
0x6b: {  	_ =	shalt  }
0x6c: {  	_ =	shalt  }
0x6d: {  	_ =	shalt  }
0x6e: {  	_ =	shalt  }
0x6f: {  	_ =	shalt  }
0x70: {  	_ =	shalt  }
0x71: {  	_ =	shalt  }
0x72: {  	_ =	shalt  }
0x73: {  	_ =	shalt  }
0x74: {  	_ =	shalt  }
0x75: {  	_ =	shalt  }
0x76: {  	_ =	shalt  }
0x77: {  	_ =	shalt  }
0x78: {  	_ =	shalt  }
0x79: {  	_ =	shalt  }
0x7a: {  	_ =	shalt  }
0x7b: {  	_ =	shalt  }
0x7c: {  	_ =	shalt  }
0x7d: {  	_ =	shalt  }
0x7e: {  	_ =	shalt  }
0x7f: {  	_ =	shalt  }
0x80: {  	_ =	shalt  }
0x81: {  	_ =	shalt  }
0x82: {  	_ =	shalt  }
0x83: {  	_ =	shalt  }
0x84: {  	_ =	shalt  }
0x85: {  	_ =	shalt  }
0x86: {  	_ =	shalt  }
0x87: {  	_ =	shalt  }
.Lfunc_end0:
.L_simem_size_0:
called_computation_lowered:
.L_overlay_start_0:
0x88: {  	s2 =	sld [smem:$0x3FD9]  }
0x89: {  	s3 =	sld [smem:$0x3FFE];
	_ =	sdelay $0x1  }
0x8a: {  	s1 =	srdreg.scid  }
0x8b: {  	s0 =	sand.u32 $0x1, s1  }
0x8c: {  	s17 =	sshll.u32 s0, $0xA;
	s2 =	sadd.s32 s3, s2  }
0x8d: {  	s2 =	sadd.s32 s2, s17  }
0x8e: {  	[smem:$0x3FC4] =	sst s2  }
0x8f: {  	_ = 	snop  }
0x90: {  	s2 =	sld [smem:$0x3FC9]  }
0x91: {  	s18 =	sld [smem:$0x3FC8]  }
0x92: {  	s4 =	sld [smem:$0x3FD0];
	(tm) =	ssettm $0x1  }
0x93: {  	s5 =	sld [smem:$0x3FFB];
	_ =	sdelay $0x3  }
0x94: {  	_ =	strace s5  }
0x95: {  	s5 =	sld [smem:$0x3FFC];
	_ =	sdelay $0x3  }
0x96: {  	_ =	strace s5  }
0x97: {  	s5 =	sld [smem:$0x3FFD];
	_ =	sdelay $0x3  }
0x98: {  	_ =	strace s5  }
0x99: {  	_ =	strace $0x8FFFFFFF  }
0x9a: {  	s19 =	sld [smem:$0x3FDB];
	_ =	sdelay $0x1  }
0x9b: {  	s6 =	simm.s32 $_scs_section_size  }
0x9c: {  	s7 =	simm.s32 $_size__tile_overlayer_lowered;
	s8 =	simm.s32 $_tile_overlayer_lowered  }
0x9d: {  	s22 =	simm.s32 $0x1BFF;
	s21 =	sshll.u32 s8, $0x1;
	s5 =	sadd.s32 s6, s19  }
0x9e: {  	s9 =	simm.s32 $0x0;
	s20 =	sshll.u32 s7, $0x1;
	s7 =	sadd.s32 s21, s5  }
0x9f: {  	[timem:s9], [sflag:s22] =	dma.local [hbm:s7], s20  }
0xa0: {  	_ =	swait.ge [sflag:s22], s20  }
0xa1: {  	s6 =	ssub.s32 $0x0, s20;
	[sflag:s22] =	ssyncset.done $0x0  }
0xa2: {  	[sflag:s22] =	ssyncadd.s32 s6;
	_ =	sdelay $0x1  }
0xa3: {  	s23 =	simm.s32 $0x1B8B  }
0xa4: {  	_ =	swait.ge [sflag:s23], $0x1  }
0xa5: {  	[sflag:s23] =	ssyncset.done $0x0  }
0xa6: {  	s25 =	simm.s32 $0x1B8E;
	s24 =	sld [smem:$0x3FFE];
	[sflag:s23] =	ssyncadd.s32 $0xFFFFFFFF  }
0xa7: {  	s26 =	simm.s32 $execute0_lowered;
	[smem:$0x3FD2] =	sst s25  }
0xa8: {  	s7 =	sshll.u32 s26, $0x1;
	_ =	strace $0x80000046;
	[dreg:$0x1] =	wrdreg $0xFFFFFFFF  }
0xa9: {  	s28 =	simm.s32 $_size_execute0_lowered;
	s5 =	sadd.s32 s5, s7;
	[dreg:$0x0] =	wrdreg $0x0  }
0xaa: {  	s7 =	sshll.u32 s28, $0x1;
	[dreg:$0x2] =	wrdreg s5  }
0xab: {  	[dreg:$0x3] =	wrdreg s7  }
0xac: {  	[dreg:$0x4] =	wrdreg $0xC0  }
0xad: {  	_ =	task [dreg:s9], $0x5FFFF  }
0xae: {  	[dreg:$0x1] =	wrdreg $0xFFFFFFFF  }
0xaf: {  	[dreg:$0x0] =	wrdreg $0x60  }
0xb0: {  	[dreg:$0x2] =	wrdreg s2  }
0xb1: {  	[dreg:$0x3] =	wrdreg s24  }
0xb2: {  	[dreg:$0x4] =	wrdreg s18  }
0xb3: {  	[dreg:$0x5] =	wrdreg s4  }
0xb4: {  	[dreg:$0x6] =	wrdreg $0x88000  }
0xb5: {  	[dreg:$0x7] =	wrdreg $0x9  }
0xb6: {  	_ =	task.clear_ibuf [dreg:s9], $0x8FFFF;
	_ =	strace $0x90000046  }
0xb7: {  	s29 =	simm.s32 $0x9;
	_ =	strace $0x80000048  }
0xb8: {  	_ =	swait.ge [sflag:s29], $0x1  }
0xb9: {  	[sflag:s29] =	ssyncadd.s32 $0xFFFFFFFF  }
0xba: {  	_ =	strace $0x90000048  }
0xbb: {  	_ =	sfence  }
0xbc: {  	s30 =	sld [smem:$0x0];
	_ =	sdelay $0x2  }
0xbd: {  	s31 =	sshll.u32 s1, $0xD;
	s1 =	sshrl.u32 s1, $0x2  }
0xbe: {  	s3 =	sand.u32 $0x4000, s31;
	s1 =	sadd.s32 s1, s30  }
0xbf: {  	s0 =	sor.u32 s3, s0;
	s1 =	sshll.u32 s1, $0x11  }
0xc0: {  	s0 =	sor.u32 s1, s0  }
0xc1: {  	s0 =	sadd.s32 $0x8F2B, s0  }
0xc2: {  	[sflag:s0] =	ssyncadd.remote.s32 $0x1  }
0xc3: {  	_ =	sfence.sel $0xFFFF  }
0xc4: {  	[dreg:$0x0] =	wrdreg $0xFFFFFFFF;
	(pc) =	sbr.abs _section_cstart, $3  }
0xc5: {  	[dreg:$0x1] =	wrdreg $0xFFFFFFFF  }
0xc6: {  	_ =	task.clear_ibuf [dreg:s9], $0x2FFFF;
	_ =	strace $0x9FFFFFFF  }
0xc7: {  	(tm) =	ssettm $0x7FFFFFFF  }
tec
execute0_lowered:
.L_overlay_start_1:
0x0: {  	(tag) =	ssettag $0x1  }
0x1: {  	s5 =	rddreg [dreg:$0x0]  }
0x2: {  	s6 =	rddreg [dreg:$0x1]  }
0x3: {  	s7 =	rddreg [dreg:$0x2]  }
0x4: {  	s10 =	rddreg [dreg:$0x3]  }
0x5: {  	s2 =	rddreg [dreg:$0x4]  }
0x6: {  	s0 =	rddreg [dreg:$0x5];
	s4 =	srdreg.scid  }
0x7: {  	s1 =	stileid.u32;
	s3 =	simm.s32 $0x0;
	s16 =	simm.s32 $0x3D10  }
0x8: {  	s19 =	simm.s32 $0x4;
	s21 =	simm.s32 $0x1;
	s22 =	simm.s32 $0x2  }
0x9: {  	s8 =	sand.u32 $0x1, s4;
	s23 =	sshll.u32 s1, $0x1;
	[smem:$0x7FF] =	sst s3  }
0xa: {  	s9 =	sadd.s32 $0x400, s6;
	s6 =	sadd.s32 $0x600, s6;
	s24 =	sshll.u32 s1, $0x7  }
0xb: {  	s31 =	sadd.s32 $0x1E4AF, s7;
	_ =	strace $0x80000047;
	[dreg:$0x6] =	wrdreg s9  }
0xc: {  	s12 =	sor.u32 s8, s23;
	[dreg:$0x7] =	wrdreg s6;
	s5 =	sadd.s32 s5, s24  }
0xd: {  	s8 =	ssub.s32 $0x2, s8;
	[dreg:$0xd] =	wrdreg s31;
	s4 =	smul.u32 $0x7A20, s12  }
0xe: {  	[dreg:$0x8] =	wrdreg s5;
	s15 =	sshrl.u32 s8, $0x1;
	s5 =	sadd.s32 s24, s2  }
0xf: {  	p0 =	seq.s32 s12, $0x1F;
	s12 =	simm.s32 $0x7A80;
	s15 =	ssub.s32 s8, s15  }
0x10: {  	s25 =	sshrl.u32 s4, $0x3;
	s17 =	sadd.s32 $0x1E88, s4;
	s18 =	sadd.s32 $0x3D10, s4  }
0x11: {  	s20 =	sadd.s32 $0x5B98, s4;
	s26 =	sadd.s32 s7, s25;
	s11 =	sshrl.u32 s17, $0x3  }
0x12: {  	s13 =	sshrl.u32 s18, $0x3;
	s14 =	sshrl.u32 s20, $0x3;
	s6 =	sadd.s32 s10, s25  }
0x13: {  	v1 =	vmov s17;
	v2 =	vmov s18;
	s17 =	simm.s32 $0x3;
	s18 =	simm.s32 $0x7E80;
	v3 =	vmov s20;
	s20 =	simm.s32 $0x7F00  }
0x14: {  	[dreg:$0x9] =	wrdreg s26;
	s28 =	sadd.s32 s7, s11;
	s29 =	sadd.s32 s7, s13  }
0x15: {  	s30 =	sadd.s32 s7, s14;
	s7 =	sadd.s32 s10, s11;
	s8 =	sadd.s32 s10, s13  }
0x16: {  	s9 =	sadd.s32 s10, s14;
	s10 =	sadd.s32 $0x1E4AF, s10;
	[dreg:$0xa] =	wrdreg s28  }
0x17: {  	s11 =	smax.u32 s15, $0x1;
	s13 =	simm.s32 $0x8700;
	[dreg:$0xb] =	wrdreg s29  }
0x18: {  	v4 =	vimm.s32 $0x0;
	v5 =	vimm.s32 $0x1;
	v0 =	vmov s4;
	s14 =	simm.s32 $0x8780;
	s15 =	simm.s32 $0x1E88;
	[dreg:$0xc] =	wrdreg s30  }
.LBB2_1:
0x19: {  	s23 =	rddreg [dreg:$0x8]  }
0x1a: {  	[tilespmem:s12], [sflag:$0x3] =	stream.linear.gather [hbm4b:s23+s3], $0x400, $0x38;
	[tilespmem:$0x8840] =	vst v63  }
0x1b: {  	s24 =	rddreg [dreg:$0x6]  }
0x1c: {  	[tilespmem:s13], [sflag:$0x3] =	stream.linear.gather [hbm4b:s24+s3], $0x80, $0x38;
	[tilespmem:$0x8840] =	vst v63  }
0x1d: {  	s28 =	rddreg [dreg:$0x7]  }
0x1e: {  	[tilespmem:s14], [sflag:$0x3] =	stream.linear.gather [hbm4b:s28+s3], $0x80, $0x38;
	[tilespmem:$0x8840] =	vst v63  }
0x1f: {  	s29 =	rddreg [dreg:$0x9]  }
0x20: {  	[tilespmem:s3], [sflag:$0x1] =	stream.linear.gather [hbm4b:s29+s3], $0x1E88, $0x38;
	[tilespmem:$0x8840] =	vst v63  }
0x21: {  	s30 =	rddreg [dreg:$0xa]  }
0x22: {  	[tilespmem:s15], [sflag:$0x1] =	stream.linear.gather [hbm4b:s30+s3], $0x1E88, $0x38;
	[tilespmem:$0x8840] =	vst v63  }
0x23: {  	s31 =	rddreg [dreg:$0xb]  }
0x24: {  	[tilespmem:s16], [sflag:$0x1] =	stream.linear.gather [hbm4b:s31+s3], $0x1E88, $0x38;
	[tilespmem:$0x8840] =	vst v63  }
0x25: {  	s25 =	simm.s32 @p0 $0x0;
	s26 =	simm.s32 @p0 $0x5B98;
	s23 =	rddreg [dreg:$0xd]  }
0x26: {  	[tilespmem:s26], [sflag:$0x1] =	stream.linear.gather @p0 [hbm4b:s23+s25], $0x1CC8, $0x38;
	[tilespmem:$0x8840] =	vst v63  }
0x27: {  	s24 =	simm.s32 @!p0 $0x5B98;
	s28 =	rddreg [dreg:$0xc];
	s23 =	simm.s32 @!p0 $0x0  }
0x28: {  	[tilespmem:s24], [sflag:$0x1] =	stream.linear.gather @!p0 [hbm4b:s28+s23], $0x1E88, $0x38;
	[tilespmem:$0x8840] =	vst v63  }
0x29: {  	_ =	swait.ge [sflag:s17], $0x400  }
0x2a: {  	[sflag:s17] =	ssyncset.done $0x0  }
0x2b: {  	[sflag:s17] =	ssyncadd.s32 $0xFFFFFC00  }
0x2c: {  	_ =	swait.ge [sflag:s17], $0x80  }
0x2d: {  	[sflag:s17] =	ssyncset.done $0x0  }
0x2e: {  	[sflag:s17] =	ssyncadd.s32 $0xFFFFFF80  }
0x2f: {  	_ =	swait.ge [sflag:s17], $0x80  }
0x30: {  	[sflag:s17] =	ssyncset.done $0x0  }
0x31: {  	[sflag:s17] =	ssyncadd.s32 $0xFFFFFF80  }
0x32: {  	v10 =	vld [tilespmem:$0x7A80];
	_ =	sdelay $0x3  }
0x33: {  	[tilespmem:$0x7E80] =	vst v4  }
0x34: {  	v9 =	vld [tilespmem:$0x8700];
	[tilespmem:$0x7E90] =	vst v4  }
0x35: {  	v8 =	vld [tilespmem:$0x8710];
	[tilespmem:$0x7EA0] =	vst v4  }
0x36: {  	v7 =	vld [tilespmem:$0x8720];
	[tilespmem:$0x7EB0] =	vst v4  }
0x37: {  	v6 =	vld [tilespmem:$0x8730];
	[tilespmem:v10+s18+$0x0] =	vst.idx.msk $0xffff, v5  }
0x38: {  	v10 =	vld [tilespmem:$0x7A90];
	_ =	sdelay $0x7  }
0x39: {  	[tilespmem:v10+s18+$0x0] =	vst.idx.msk $0xffff, v5  }
0x3a: {  	v10 =	vld [tilespmem:$0x7AA0];
	_ =	sdelay $0x7  }
0x3b: {  	[tilespmem:v10+s18+$0x0] =	vst.idx.msk $0xffff, v5  }
0x3c: {  	v10 =	vld [tilespmem:$0x7AB0];
	_ =	sdelay $0x7  }
0x3d: {  	[tilespmem:v10+s18+$0x0] =	vst.idx.msk $0xffff, v5  }
0x3e: {  	v10 =	vld [tilespmem:$0x7AC0];
	_ =	sdelay $0x7  }
0x3f: {  	[tilespmem:v10+s18+$0x0] =	vst.idx.msk $0xffff, v5  }
0x40: {  	v10 =	vld [tilespmem:$0x7AD0];
	_ =	sdelay $0x7  }
0x41: {  	[tilespmem:v10+s18+$0x0] =	vst.idx.msk $0xffff, v5  }
0x42: {  	v10 =	vld [tilespmem:$0x7AE0];
	_ =	sdelay $0x7  }
0x43: {  	[tilespmem:v10+s18+$0x0] =	vst.idx.msk $0xffff, v5  }
0x44: {  	v10 =	vld [tilespmem:$0x7AF0];
	_ =	sdelay $0x7  }
0x45: {  	[tilespmem:v10+s18+$0x0] =	vst.idx.msk $0xffff, v5  }
0x46: {  	v10 =	vld [tilespmem:$0x7B00];
	_ =	sdelay $0x7  }
0x47: {  	[tilespmem:v10+s18+$0x0] =	vst.idx.msk $0xffff, v5  }
0x48: {  	v10 =	vld [tilespmem:$0x7B10];
	_ =	sdelay $0x7  }
0x49: {  	[tilespmem:v10+s18+$0x0] =	vst.idx.msk $0xffff, v5  }
0x4a: {  	v10 =	vld [tilespmem:$0x7B20];
	_ =	sdelay $0x7  }
0x4b: {  	[tilespmem:v10+s18+$0x0] =	vst.idx.msk $0xffff, v5  }
0x4c: {  	v10 =	vld [tilespmem:$0x7B30];
	_ =	sdelay $0x7  }
0x4d: {  	[tilespmem:v10+s18+$0x0] =	vst.idx.msk $0xffff, v5  }
0x4e: {  	v10 =	vld [tilespmem:$0x7B40];
	_ =	sdelay $0x7  }
0x4f: {  	[tilespmem:v10+s18+$0x0] =	vst.idx.msk $0xffff, v5  }
0x50: {  	v10 =	vld [tilespmem:$0x7B50];
	_ =	sdelay $0x7  }
0x51: {  	[tilespmem:v10+s18+$0x0] =	vst.idx.msk $0xffff, v5  }
0x52: {  	v10 =	vld [tilespmem:$0x7B60];
	_ =	sdelay $0x7  }
0x53: {  	[tilespmem:v10+s18+$0x0] =	vst.idx.msk $0xffff, v5  }
0x54: {  	v10 =	vld [tilespmem:$0x7B70];
	_ =	sdelay $0x7  }
0x55: {  	[tilespmem:v10+s18+$0x0] =	vst.idx.msk $0xffff, v5  }
0x56: {  	v10 =	vld [tilespmem:$0x7B80];
	_ =	sdelay $0x7  }
0x57: {  	[tilespmem:v10+s18+$0x0] =	vst.idx.msk $0xffff, v5  }
0x58: {  	v10 =	vld [tilespmem:$0x7B90];
	_ =	sdelay $0x7  }
0x59: {  	[tilespmem:v10+s18+$0x0] =	vst.idx.msk $0xffff, v5  }
0x5a: {  	v10 =	vld [tilespmem:$0x7BA0];
	_ =	sdelay $0x7  }
0x5b: {  	[tilespmem:v10+s18+$0x0] =	vst.idx.msk $0xffff, v5  }
0x5c: {  	v10 =	vld [tilespmem:$0x7BB0];
	_ =	sdelay $0x7  }
0x5d: {  	[tilespmem:v10+s18+$0x0] =	vst.idx.msk $0xffff, v5  }
0x5e: {  	v10 =	vld [tilespmem:$0x7BC0];
	_ =	sdelay $0x7  }
0x5f: {  	[tilespmem:v10+s18+$0x0] =	vst.idx.msk $0xffff, v5  }
0x60: {  	v10 =	vld [tilespmem:$0x7BD0];
	_ =	sdelay $0x7  }
0x61: {  	[tilespmem:v10+s18+$0x0] =	vst.idx.msk $0xffff, v5  }
0x62: {  	v10 =	vld [tilespmem:$0x7BE0];
	_ =	sdelay $0x7  }
0x63: {  	[tilespmem:v10+s18+$0x0] =	vst.idx.msk $0xffff, v5  }
0x64: {  	v10 =	vld [tilespmem:$0x7BF0];
	_ =	sdelay $0x7  }
0x65: {  	[tilespmem:v10+s18+$0x0] =	vst.idx.msk $0xffff, v5  }
0x66: {  	v10 =	vld [tilespmem:$0x7C00];
	_ =	sdelay $0x7  }
0x67: {  	[tilespmem:v10+s18+$0x0] =	vst.idx.msk $0xffff, v5  }
0x68: {  	v10 =	vld [tilespmem:$0x7C10];
	_ =	sdelay $0x7  }
0x69: {  	[tilespmem:v10+s18+$0x0] =	vst.idx.msk $0xffff, v5  }
0x6a: {  	v10 =	vld [tilespmem:$0x7C20];
	_ =	sdelay $0x7  }
0x6b: {  	[tilespmem:v10+s18+$0x0] =	vst.idx.msk $0xffff, v5  }
0x6c: {  	v10 =	vld [tilespmem:$0x7C30];
	_ =	sdelay $0x7  }
0x6d: {  	[tilespmem:v10+s18+$0x0] =	vst.idx.msk $0xffff, v5  }
0x6e: {  	v10 =	vld [tilespmem:$0x7C40];
	_ =	sdelay $0x7  }
0x6f: {  	[tilespmem:v10+s18+$0x0] =	vst.idx.msk $0xffff, v5  }
0x70: {  	v10 =	vld [tilespmem:$0x7C50];
	_ =	sdelay $0x7  }
0x71: {  	[tilespmem:v10+s18+$0x0] =	vst.idx.msk $0xffff, v5  }
0x72: {  	v10 =	vld [tilespmem:$0x7C60];
	_ =	sdelay $0x7  }
0x73: {  	[tilespmem:v10+s18+$0x0] =	vst.idx.msk $0xffff, v5  }
0x74: {  	v10 =	vld [tilespmem:$0x7C70];
	_ =	sdelay $0x7  }
0x75: {  	[tilespmem:v10+s18+$0x0] =	vst.idx.msk $0xffff, v5  }
0x76: {  	v10 =	vld [tilespmem:$0x7C80];
	_ =	sdelay $0x7  }
0x77: {  	[tilespmem:v10+s18+$0x0] =	vst.idx.msk $0xffff, v5  }
0x78: {  	v10 =	vld [tilespmem:$0x7C90];
	_ =	sdelay $0x7  }
0x79: {  	[tilespmem:v10+s18+$0x0] =	vst.idx.msk $0xffff, v5  }
0x7a: {  	v10 =	vld [tilespmem:$0x7CA0];
	_ =	sdelay $0x7  }
0x7b: {  	[tilespmem:v10+s18+$0x0] =	vst.idx.msk $0xffff, v5  }
0x7c: {  	v10 =	vld [tilespmem:$0x7CB0];
	_ =	sdelay $0x7  }
0x7d: {  	[tilespmem:v10+s18+$0x0] =	vst.idx.msk $0xffff, v5  }
0x7e: {  	v10 =	vld [tilespmem:$0x7CC0];
	_ =	sdelay $0x7  }
0x7f: {  	[tilespmem:v10+s18+$0x0] =	vst.idx.msk $0xffff, v5  }
0x80: {  	v10 =	vld [tilespmem:$0x7CD0];
	_ =	sdelay $0x7  }
0x81: {  	[tilespmem:v10+s18+$0x0] =	vst.idx.msk $0xffff, v5  }
0x82: {  	v10 =	vld [tilespmem:$0x7CE0];
	_ =	sdelay $0x7  }
0x83: {  	[tilespmem:v10+s18+$0x0] =	vst.idx.msk $0xffff, v5  }
0x84: {  	v10 =	vld [tilespmem:$0x7CF0];
	_ =	sdelay $0x7  }
0x85: {  	[tilespmem:v10+s18+$0x0] =	vst.idx.msk $0xffff, v5  }
0x86: {  	v10 =	vld [tilespmem:$0x7D00];
	_ =	sdelay $0x7  }
0x87: {  	[tilespmem:v10+s18+$0x0] =	vst.idx.msk $0xffff, v5  }
0x88: {  	v10 =	vld [tilespmem:$0x7D10];
	_ =	sdelay $0x7  }
0x89: {  	[tilespmem:v10+s18+$0x0] =	vst.idx.msk $0xffff, v5  }
0x8a: {  	v10 =	vld [tilespmem:$0x7D20];
	_ =	sdelay $0x7  }
0x8b: {  	[tilespmem:v10+s18+$0x0] =	vst.idx.msk $0xffff, v5  }
0x8c: {  	v10 =	vld [tilespmem:$0x7D30];
	_ =	sdelay $0x7  }
0x8d: {  	[tilespmem:v10+s18+$0x0] =	vst.idx.msk $0xffff, v5  }
0x8e: {  	v10 =	vld [tilespmem:$0x7D40];
	_ =	sdelay $0x7  }
0x8f: {  	[tilespmem:v10+s18+$0x0] =	vst.idx.msk $0xffff, v5  }
0x90: {  	v10 =	vld [tilespmem:$0x7D50];
	_ =	sdelay $0x7  }
0x91: {  	[tilespmem:v10+s18+$0x0] =	vst.idx.msk $0xffff, v5  }
0x92: {  	v10 =	vld [tilespmem:$0x7D60];
	_ =	sdelay $0x7  }
0x93: {  	[tilespmem:v10+s18+$0x0] =	vst.idx.msk $0xffff, v5  }
0x94: {  	v10 =	vld [tilespmem:$0x7D70];
	_ =	sdelay $0x7  }
0x95: {  	[tilespmem:v10+s18+$0x0] =	vst.idx.msk $0xffff, v5  }
0x96: {  	v10 =	vld [tilespmem:$0x7D80];
	_ =	sdelay $0x7  }
0x97: {  	[tilespmem:v10+s18+$0x0] =	vst.idx.msk $0xffff, v5  }
0x98: {  	v10 =	vld [tilespmem:$0x7D90];
	_ =	sdelay $0x7  }
0x99: {  	[tilespmem:v10+s18+$0x0] =	vst.idx.msk $0xffff, v5  }
0x9a: {  	v10 =	vld [tilespmem:$0x7DA0];
	_ =	sdelay $0x7  }
0x9b: {  	[tilespmem:v10+s18+$0x0] =	vst.idx.msk $0xffff, v5  }
0x9c: {  	v10 =	vld [tilespmem:$0x7DB0];
	_ =	sdelay $0x7  }
0x9d: {  	[tilespmem:v10+s18+$0x0] =	vst.idx.msk $0xffff, v5  }
0x9e: {  	v10 =	vld [tilespmem:$0x7DC0];
	_ =	sdelay $0x7  }
0x9f: {  	[tilespmem:v10+s18+$0x0] =	vst.idx.msk $0xffff, v5  }
0xa0: {  	v10 =	vld [tilespmem:$0x7DD0];
	_ =	sdelay $0x7  }
0xa1: {  	[tilespmem:v10+s18+$0x0] =	vst.idx.msk $0xffff, v5  }
0xa2: {  	v10 =	vld [tilespmem:$0x7DE0];
	_ =	sdelay $0x7  }
0xa3: {  	[tilespmem:v10+s18+$0x0] =	vst.idx.msk $0xffff, v5  }
0xa4: {  	v10 =	vld [tilespmem:$0x7DF0];
	_ =	sdelay $0x7  }
0xa5: {  	[tilespmem:v10+s18+$0x0] =	vst.idx.msk $0xffff, v5  }
0xa6: {  	v10 =	vld [tilespmem:$0x7E00];
	_ =	sdelay $0x7  }
0xa7: {  	[tilespmem:v10+s18+$0x0] =	vst.idx.msk $0xffff, v5  }
0xa8: {  	v10 =	vld [tilespmem:$0x7E10];
	_ =	sdelay $0x7  }
0xa9: {  	[tilespmem:v10+s18+$0x0] =	vst.idx.msk $0xffff, v5  }
0xaa: {  	v10 =	vld [tilespmem:$0x7E20];
	_ =	sdelay $0x7  }
0xab: {  	[tilespmem:v10+s18+$0x0] =	vst.idx.msk $0xffff, v5  }
0xac: {  	v10 =	vld [tilespmem:$0x7E30];
	_ =	sdelay $0x7  }
0xad: {  	[tilespmem:v10+s18+$0x0] =	vst.idx.msk $0xffff, v5  }
0xae: {  	v10 =	vld [tilespmem:$0x7E40];
	_ =	sdelay $0x7  }
0xaf: {  	[tilespmem:v10+s18+$0x0] =	vst.idx.msk $0xffff, v5  }
0xb0: {  	v10 =	vld [tilespmem:$0x7E50];
	_ =	sdelay $0x7  }
0xb1: {  	[tilespmem:v10+s18+$0x0] =	vst.idx.msk $0xffff, v5  }
0xb2: {  	v10 =	vld [tilespmem:$0x7E60];
	_ =	sdelay $0x7  }
0xb3: {  	[tilespmem:v10+s18+$0x0] =	vst.idx.msk $0xffff, v5  }
0xb4: {  	v10 =	vld [tilespmem:$0x7E70];
	_ =	sdelay $0x7  }
0xb5: {  	[tilespmem:v10+s18+$0x0] =	vst.idx.msk $0xffff, v5  }
0xb6: {  	[spmem:s5] =	stream.linear.scatter [tilespmem:s18], [sflag:$0x4], $0x80, $0x38;
	[tilespmem:$0x8840] =	vst v63  }
0xb7: {  	_ =	swait.ge [sflag:s19], $0x80  }
0xb8: {  	[sflag:s19] =	ssyncset.done $0x0  }
0xb9: {  	[sflag:s19] =	ssyncadd.s32 $0xFFFFFF80  }
0xba: {  	[bflag:$0x0] =	sbarrier.arrive $0xFFFF  }
0xbb: {  	[tilespmem:s20], [sflag:$0x4] =	stream.linear.gather [spmem:s2], $0x800, $0x38;
	[tilespmem:$0x8840] =	vst v63  }
0xbc: {  	_ =	swait.ge [sflag:s19], $0x800  }
0xbd: {  	[sflag:s19] =	ssyncset.done $0x0  }
0xbe: {  	[sflag:s19] =	ssyncadd.s32 $0xFFFFF800  }
0xbf: {  	v41 =	vld [tilespmem:$0x7F00]  }
0xc0: {  	v11 =	vld [tilespmem:$0x7F80]  }
0xc1: {  	v12 =	vld [tilespmem:$0x8000]  }
0xc2: {  	v13 =	vld [tilespmem:$0x8080]  }
0xc3: {  	v14 =	vld [tilespmem:$0x8100]  }
0xc4: {  	v15 =	vld [tilespmem:$0x8180]  }
0xc5: {  	v16 =	vld [tilespmem:$0x8200]  }
0xc6: {  	v17 =	vld [tilespmem:$0x8280]  }
0xc7: {  	v18 =	vld [tilespmem:$0x8300]  }
0xc8: {  	v19 =	vld [tilespmem:$0x8380]  }
0xc9: {  	v20 =	vld [tilespmem:$0x8400]  }
0xca: {  	v21 =	vld [tilespmem:$0x8480]  }
0xcb: {  	v42 =	vld [tilespmem:$0x8500]  }
0xcc: {  	v22 =	vld [tilespmem:$0x8580]  }
0xcd: {  	v43 =	vld [tilespmem:$0x8600]  }
0xce: {  	v23 =	vld [tilespmem:$0x8680]  }
0xcf: {  	v44 =	vld [tilespmem:$0x7F10]  }
0xd0: {  	v24 =	vld [tilespmem:$0x7F90];
	vm0 =	vgt.s32 v41, v11  }
0xd1: {  	v45 =	vld [tilespmem:$0x8010];
	v10 =	vsel vm0, v41, v11  }
0xd2: {  	v25 =	vld [tilespmem:$0x8090];
	vm0 =	vgt.s32 v10, v12  }
0xd3: {  	v46 =	vld [tilespmem:$0x8110];
	v10 =	vsel vm0, v10, v12  }
0xd4: {  	v26 =	vld [tilespmem:$0x8190];
	vm0 =	vgt.s32 v10, v13  }
0xd5: {  	v33 =	vld [tilespmem:$0x7F30];
	v10 =	vsel vm0, v10, v13  }
0xd6: {  	v54 =	vld [tilespmem:$0x7FB0];
	vm0 =	vgt.s32 v10, v14  }
0xd7: {  	v52 =	vld [tilespmem:$0x7F20];
	v10 =	vsel vm0, v10, v14  }
0xd8: {  	v55 =	vld [tilespmem:$0x8030];
	vm0 =	vgt.s32 v10, v15  }
0xd9: {  	v32 =	vld [tilespmem:$0x7FA0];
	v10 =	vsel vm0, v10, v15  }
0xda: {  	v57 =	vld [tilespmem:$0x80B0];
	vm0 =	vgt.s32 v10, v16  }
0xdb: {  	v47 =	vld [tilespmem:$0x8210];
	vm5 =	vgt.s32 v33, v54;
	v10 =	vsel vm0, v10, v16  }
0xdc: {  	v60 =	vld [tilespmem:$0x8130];
	v59 =	vsel vm5, v33, v54;
	vm0 =	vgt.s32 v10, v17  }
0xdd: {  	v27 =	vld [tilespmem:$0x8290];
	vm14 =	vgt.s32 v44, v24;
	vm8 =	vgt.s32 v59, v55;
	v10 =	vsel vm0, v10, v17  }
0xde: {  	v62 =	vld [tilespmem:$0x81B0];
	vm1 =	vgt.s32 v52, v32;
	v12 =	vsel vm8, v59, v55;
	vm0 =	vgt.s32 v10, v18  }
0xdf: {  	v48 =	vld [tilespmem:$0x8310];
	vm10 =	vgt.s32 v12, v57;
	v13 =	vsel vm14, v44, v24;
	v10 =	vsel vm0, v10, v18  }
0xe0: {  	v12 =	vsel vm10, v12, v57;
	v24 =	vld [tilespmem:$0x8230];
	vm10 =	vlt.s32 v9, v1;
	vm0 =	vgt.s32 v10, v19  }
0xe1: {  	v28 =	vld [tilespmem:$0x8390];
	vm4 =	vgt.s32 v13, v45;
	vm12 =	vgt.s32 v12, v60;
	v10 =	vsel vm0, v10, v19  }
0xe2: {  	v53 =	vld [tilespmem:$0x8020];
	v13 =	vsel vm4, v13, v45;
	v12 =	vsel vm12, v12, v60;
	vm0 =	vgt.s32 v10, v20  }
0xe3: {  	v49 =	vld [tilespmem:$0x8410];
	vm12 =	vge.s32 v7, v0;
	vm14 =	vgt.s32 v12, v62;
	v10 =	vsel vm0, v10, v20  }
0xe4: {  	v34 =	vld [tilespmem:$0x80A0];
	vm6 =	vgt.s32 v13, v25;
	v12 =	vsel vm14, v12, v62;
	vm0 =	vgt.s32 v10, v21  }
0xe5: {  	v56 =	vld [tilespmem:$0x8120];
	v13 =	vsel vm6, v13, v25;
	vm4 =	vgt.s32 v12, v24;
	v10 =	vsel vm0, v10, v21  }
0xe6: {  	v12 =	vsel vm4, v12, v24;
	v21 =	vsel vm1, v52, v32;
	v32 =	vld [tilespmem:$0x82B0];
	vm0 =	vgt.s32 v10, v42  }
0xe7: {  	v29 =	vld [tilespmem:$0x8490];
	v52 =	vsub.s32 v7, v0;
	vm1 =	vgt.s32 v21, v53;
	v10 =	vsel vm0, v10, v42  }
0xe8: {  	v50 =	vld [tilespmem:$0x8510];
	v11 =	vsel vm1, v21, v53;
	vm1 =	vgt.s32 v13, v46;
	vm0 =	vgt.s32 v10, v22  }
0xe9: {  	v58 =	vld [tilespmem:$0x81A0];
	vm7 =	vgt.s32 v11, v34;
	v13 =	vsel vm1, v13, v46;
	v10 =	vsel vm0, v10, v22  }
0xea: {  	v30 =	vld [tilespmem:$0x8590];
	v11 =	vsel vm7, v11, v34;
	vm1 =	vgt.s32 v13, v26;
	vm0 =	vgt.s32 v10, v43  }
0xeb: {  	v61 =	vld [tilespmem:$0x8220];
	vm9 =	vgt.s32 v11, v56;
	v13 =	vsel vm1, v13, v26;
	vm6 =	vgt.s32 v12, v32  }
0xec: {  	v34 =	vld [tilespmem:$0x8330];
	v10 =	vsel vm0, v10, v43;
	v11 =	vsel vm9, v11, v56;
	vm1 =	vgt.s32 v13, v47  }
0xed: {  	v63 =	vld [tilespmem:$0x82A0];
	v12 =	vsel vm6, v12, v32;
	vm9 =	vge.s32 v9, v0;
	vm6 =	vlt.s32 v7, v1  }
0xee: {  	v36 =	vld [tilespmem:$0x83B0];
	vm15 =	vgt.s32 v10, v23;
	vm11 =	vgt.s32 v11, v58;
	v13 =	vsel vm1, v13, v47  }
0xef: {  	v38 =	vld [tilespmem:$0x8430];
	v10 =	vsel vm15, v10, v23;
	v11 =	vsel vm11, v11, v58;
	vm1 =	vgt.s32 v13, v27  }
0xf0: {  	v26 =	vld [tilespmem:$0x8320];
	vm11 =	vge.s32 v8, v0;
	vm13 =	vgt.s32 v11, v61;
	v13 =	vsel vm1, v13, v27  }
0xf1: {  	v51 =	vld [tilespmem:$0x8610];
	vm8 =	vgt.s32 v12, v34;
	v11 =	vsel vm13, v11, v61;
	vm1 =	vgt.s32 v13, v48  }
0xf2: {  	v33 =	vld [tilespmem:$0x83A0];
	v12 =	vsel vm8, v12, v34;
	vm8 =	vlt.s32 v6, v1;
	vm15 =	vgt.s32 v11, v63  }
0xf3: {  	v40 =	vld [tilespmem:$0x84B0];
	v13 =	vsel vm1, v13, v48;
	vm0 =	vgt.s32 v12, v36;
	v48 =	vsub.s32 v9, v0  }
0xf4: {  	v35 =	vld [tilespmem:$0x8420];
	v11 =	vsel vm15, v11, v63;
	vm1 =	vgt.s32 v13, v28;
	v12 =	vsel vm0, v12, v36  }
0xf5: {  	v42 =	vld [tilespmem:$0x8530];
	vm5 =	vgt.s32 v11, v26;
	v13 =	vsel vm1, v13, v28;
	vm0 =	vgt.s32 v12, v38  }
0xf6: {  	v37 =	vld [tilespmem:$0x84A0];
	v11 =	vsel vm5, v11, v26;
	vm1 =	vgt.s32 v13, v49;
	v12 =	vsel vm0, v12, v38  }
0xf7: {  	v44 =	vld [tilespmem:$0x85B0];
	vm5 =	vlt.s32 v8, v1;
	vm7 =	vgt.s32 v11, v33;
	v13 =	vsel vm1, v13, v49  }
0xf8: {  	v31 =	vld [tilespmem:$0x8690];
	vm0 =	vgt.s32 v12, v40;
	v11 =	vsel vm7, v11, v33;
	vm1 =	vgt.s32 v13, v29  }
0xf9: {  	v39 =	vld [tilespmem:$0x8520];
	v12 =	vsel vm0, v12, v40;
	vm7 =	vge.s32 v6, v0;
	vm2 =	vgt.s32 v11, v35  }
0xfa: {  	v46 =	vld [tilespmem:$0x8630];
	v13 =	vsel vm1, v13, v29;
	vm0 =	vgt.s32 v12, v42;
	vm7 =	vmand vm7, vm8  }
0xfb: {  	v41 =	vld [tilespmem:$0x85A0];
	v11 =	vsel vm2, v11, v35;
	vm1 =	vgt.s32 v13, v50;
	v12 =	vsel vm0, v12, v42  }
0xfc: {  	v47 =	vld [tilespmem:$0x86B0];
	vm2 =	vgt.s32 v11, v37;
	v13 =	vsel vm1, v13, v50;
	vm0 =	vgt.s32 v12, v44  }
0xfd: {  	v43 =	vld [tilespmem:$0x8620];
	v50 =	vsub.s32 v8, v0;
	v11 =	vsel vm2, v11, v37;
	vm1 =	vgt.s32 v13, v30  }
0xfe: {  	v12 =	vsel vm0, v12, v44;
	vm2 =	vgt.s32 v11, v39;
	v13 =	vsel vm1, v13, v30  }
0xff: {  	v45 =	vld [tilespmem:$0x86A0];
	vm0 =	vgt.s32 v12, v46;
	v11 =	vsel vm2, v11, v39;
	vm1 =	vgt.s32 v13, v51  }
0x100: {  	v12 =	vsel vm0, v12, v46;
	vm0 =	vmand vm9, vm10;
	vm2 =	vgt.s32 v11, v41  }
0x101: {  	v13 =	vsel vm1, v13, v51;
	vm3 =	vgt.s32 v12, v47;
	v11 =	vsel vm2, v11, v41  }
0x102: {  	vm1 =	vgt.s32 v13, v31;
	v12 =	vsel vm3, v12, v47;
	vm2 =	vgt.s32 v11, v43  }
0x103: {  	v13 =	vsel vm1, v13, v31;
	vm1 =	vgt.s32 v10, $0x0;
	v11 =	vsel vm2, v11, v43  }
0x104: {  	vm3 =	vmand vm12, vm6;
	vm4 =	vmand vm0, vm1;
	vm2 =	vgt.s32 v11, v45  }
0x105: {  	vm0 =	vgt.s32 v13, $0x0;
	v11 =	vsel vm2, v11, v45;
	vm2 =	vmand vm11, vm5  }
0x106: {  	v49 =	vnsel vm4, $0x0, v48;
	vm5 =	vmand vm2, vm0;
	vm2 =	vgt.s32 v11, $0x0;
	v11 =	vld [tilespmem:$0x8780]  }
0x107: {  	v51 =	vnsel vm5, $0x0, v50;
	vm6 =	vmand vm3, vm2;
	vm3 =	vgt.s32 v12, $0x0  }
0x108: {  	v54 =	vsub.s32 v6, v0;
	_ =	swait.ge [sflag:s21], $0x1E88;
	v53 =	vnsel vm6, $0x0, v52;
	vm7 =	vmand vm7, vm3  }
0x109: {  	[sflag:s21] =	ssyncset.done $0x0;
	v55 =	vnsel vm7, $0x0, v54  }
0x10a: {  	vm13 =	vge.s32 v9, v1;
	vm9 =	vlt.s32 v9, v2;
	[sflag:s21] =	ssyncadd.s32 $0xFFFFE178  }
0x10b: {  	vm14 =	vge.s32 v8, v1;
	vm15 =	vlt.s32 v8, v2;
	vm8 =	vmand vm13, vm9;
	[tilespmem:v49+s3+$0x0] =	vst.idx.msk vm4, v11  }
0x10c: {  	vm13 =	vge.s32 v7, v1;
	vm12 =	vmand vm14, vm15;
	vm4 =	vmand vm8, vm1;
	[tilespmem:v51+s3+$0x0] =	vst.idx.msk vm5, v11  }
0x10d: {  	vm14 =	vlt.s32 v7, v2;
	vm15 =	vge.s32 v6, v1;
	v56 =	vnsel vm4, $0x0, v48;
	[tilespmem:v53+s3+$0x0] =	vst.idx.msk vm6, v11  }
0x10e: {  	vm5 =	vmand vm12, vm0;
	vm12 =	vlt.s32 v6, v2;
	vm6 =	vmand vm13, vm14;
	[tilespmem:v55+s3+$0x0] =	vst.idx.msk vm7, v11  }
0x10f: {  	v57 =	vnsel vm5, $0x0, v50;
	vm6 =	vmand vm6, vm2;
	vm7 =	vmand vm15, vm12;
	[hbm4b:s6+s3] =	stream.linear.scatter [tilespmem:s3], [sflag:$0x2], $0x1E88, $0x38;
	[tilespmem:$0x8840] =	vst v63  }
0x110: {  	v58 =	vnsel vm6, $0x0, v52;
	vm7 =	vmand vm7, vm3;
	_ =	swait.ge [sflag:s21], $0x1E88  }
0x111: {  	v59 =	vnsel vm7, $0x0, v54;
	[sflag:s21] =	ssyncset.done $0x0  }
0x112: {  	vm13 =	vge.s32 v9, v2;
	vm14 =	vlt.s32 v9, v3;
	[sflag:s21] =	ssyncadd.s32 $0xFFFFE178  }
0x113: {  	vm8 =	vmand vm13, vm14;
	vm15 =	vge.s32 v8, v2;
	vm12 =	vlt.s32 v8, v3;
	[tilespmem:v56+s3+$0x0] =	vst.idx.msk vm4, v11  }
0x114: {  	vm14 =	vge.s32 v7, v2;
	vm13 =	vmand vm15, vm12;
	vm4 =	vmand vm8, vm1;
	[tilespmem:v57+s3+$0x0] =	vst.idx.msk vm5, v11  }
0x115: {  	vm15 =	vlt.s32 v7, v3;
	vm12 =	vge.s32 v6, v2;
	v60 =	vnsel vm4, $0x0, v48;
	[tilespmem:v58+s3+$0x0] =	vst.idx.msk vm6, v11  }
0x116: {  	s28 =	simm.s32 @!p0 $0x7A20;
	vm5 =	vmand vm13, vm0;
	vm13 =	vlt.s32 v6, v3;
	vm6 =	vmand vm14, vm15;
	[tilespmem:v59+s3+$0x0] =	vst.idx.msk vm7, v11  }
0x117: {  	v61 =	vnsel vm5, $0x0, v50;
	vm6 =	vmand vm6, vm2;
	vm7 =	vmand vm12, vm13;
	[hbm4b:s7+s3] =	stream.linear.scatter [tilespmem:s15], [sflag:$0x2], $0x1E88, $0x38;
	[tilespmem:$0x8840] =	vst v63  }
0x118: {  	s28 =	simm.s32 @p0 $0x7860;
	v62 =	vnsel vm6, $0x0, v52;
	vm7 =	vmand vm7, vm3;
	_ =	swait.ge [sflag:s21], $0x1E88  }
0x119: {  	s28 =	sadd.s32 s4, s28;
	v63 =	vnsel vm7, $0x0, v54;
	[sflag:s21] =	ssyncset.done $0x0  }
0x11a: {  	vm10 =	vlt.s32 v8, s28;
	vm9 =	vge.s32 v8, v3;
	[sflag:s21] =	ssyncadd.s32 $0xFFFFE178  }
0x11b: {  	vm11 =	vge.s32 v7, v3;
	vm14 =	vge.s32 v9, v3;
	vm15 =	vlt.s32 v9, s28;
	[tilespmem:v60+s3+$0x0] =	vst.idx.msk vm4, v11  }
0x11c: {  	vm8 =	vmand vm14, vm15;
	vm12 =	vlt.s32 v7, s28;
	vm13 =	vge.s32 v6, v3;
	[tilespmem:v61+s3+$0x0] =	vst.idx.msk vm5, v11  }
0x11d: {  	vm14 =	vlt.s32 v6, s28;
	vm1 =	vmand vm8, vm1;
	vm4 =	vmand vm9, vm10;
	[tilespmem:v62+s3+$0x0] =	vst.idx.msk vm6, v11  }
0x11e: {  	s28 =	simm.s32 @p0 $0x1;
	v8 =	vnsel vm1, $0x0, v48;
	vm0 =	vmand vm4, vm0;
	vm4 =	vmand vm11, vm12;
	[tilespmem:v63+s3+$0x0] =	vst.idx.msk vm7, v11  }
0x11f: {  	vm15 =	vmand vm13, vm14;
	vm2 =	vmand vm4, vm2;
	v6 =	vnsel vm0, $0x0, v50;
	[hbm4b:s8+s3] =	stream.linear.scatter [tilespmem:s16], [sflag:$0x2], $0x1E88, $0x38;
	[tilespmem:$0x8840] =	vst v63  }
0x120: {  	vm3 =	vmand vm15, vm3;
	v7 =	vnsel vm2, $0x0, v52;
	_ =	swait.ge @p0 [sflag:s28], $0x1CC8  }
0x121: {  	v9 =	vnsel vm3, $0x0, v54;
	[sflag:s28] =	ssyncset.done @p0 $0x0  }
0x122: {  	[sflag:s28] =	ssyncadd.s32 @p0 $0xFFFFE338  }
0x123: {  	[tilespmem:v8+s25+$0x0] =	vst.idx.msk @p0 vm1, v11  }
0x124: {  	[tilespmem:v6+s25+$0x0] =	vst.idx.msk @p0 vm0, v11  }
0x125: {  	[tilespmem:v7+s25+$0x0] =	vst.idx.msk @p0 vm2, v11  }
0x126: {  	[tilespmem:v9+s25+$0x0] =	vst.idx.msk @p0 vm3, v11  }
0x127: {  	[hbm4b:s10+s25] =	stream.linear.scatter @p0 [tilespmem:s26], [sflag:$0x2], $0x1CC8, $0x38;
	[tilespmem:$0x8840] =	vst v63  }
0x128: {  	s25 =	simm.s32 @!p0 $0x1  }
0x129: {  	_ =	swait.ge @!p0 [sflag:s25], $0x1E88  }
0x12a: {  	[sflag:s25] =	ssyncset.done @!p0 $0x0  }
0x12b: {  	[sflag:s25] =	ssyncadd.s32 @!p0 $0xFFFFE178  }
0x12c: {  	[tilespmem:v8+s23+$0x0] =	vst.idx.msk @!p0 vm1, v11  }
0x12d: {  	[tilespmem:v6+s23+$0x0] =	vst.idx.msk @!p0 vm0, v11  }
0x12e: {  	[tilespmem:v7+s23+$0x0] =	vst.idx.msk @!p0 vm2, v11  }
0x12f: {  	[tilespmem:v9+s23+$0x0] =	vst.idx.msk @!p0 vm3, v11  }
0x130: {  	[hbm4b:s9+s23] =	stream.linear.scatter @!p0 [tilespmem:s24], [sflag:$0x2], $0x1E88, $0x38;
	[tilespmem:$0x8840] =	vst v63  }
0x131: {  	_ =	swait.ge [sflag:s22], $0x1E88  }
0x132: {  	[sflag:s22] =	ssyncset.done $0x0  }
0x133: {  	[sflag:s22] =	ssyncadd.s32 $0xFFFFE178  }
0x134: {  	_ =	swait.ge [sflag:s22], $0x1E88  }
0x135: {  	[sflag:s22] =	ssyncset.done $0x0  }
0x136: {  	[sflag:s22] =	ssyncadd.s32 $0xFFFFE178  }
0x137: {  	_ =	swait.ge [sflag:s22], $0x1E88  }
0x138: {  	[sflag:s22] =	ssyncset.done $0x0  }
0x139: {  	s11 =	sadd.s32 $0xFFFFFFFF, s11;
	s23 =	simm.s32 @p0 $0x2;
	[sflag:s22] =	ssyncadd.s32 $0xFFFFE178  }
0x13a: {  	p1 =	sne.s32 s11, $0x0;
	_ =	swait.ge @p0 [sflag:s23], $0x1CC8  }
.Ltmp0:
0x13b: {  	[sflag:s23] =	ssyncset.done @p0 $0x0;
	(pc) =	sbr.rel @p1 .LBB2_1-.Ltmp0, $4  }
0x13c: {  	[sflag:s23] =	ssyncadd.s32 @p0 $0xFFFFE338;
	s23 =	simm.s32 @!p0 $0x2  }
0x13d: {  	_ =	swait.ge @!p0 [sflag:s23], $0x1E88  }
0x13e: {  	[sflag:s23] =	ssyncset.done @!p0 $0x0  }
0x13f: {  	[sflag:s23] =	ssyncadd.s32 @!p0 $0xFFFFE178  }
0x140: {  	_ =	sfence.sel $0x180000  }
0x141: {  	[bflag:$0x0] =	sbarrier.arrive $0xFFFF  }
0x142: {  	p0 =	sne.s32 s1, $0x0;
	_ =	strace $0x90000047  }
0x143: {  	s0 =	sadd.s32 @!p0 $0x100000, s0;
	[bflag:$0x2] =	sbarrier.arrive $0xFFFF  }
0x144: {  	[sflag:s0] =	ssyncadd.tile.s32 @!p0 $0x1;
	_ =	shalt  }
.Lfunc_end2:
_tile_overlayer_lowered:
.L_overlay_start_2:
0x145: {  	(tag) =	ssettag $0x2  }
0x146: {  	s0 =	rddreg [dreg:$0x0];
	s2 =	stileid.u32  }
0x147: {  	s1 =	rddreg [dreg:$0x1];
	p0 =	sne.s32 s2, $0x0  }
0x148: {  	s3 =	rddreg [dreg:$0x2];
	[bflag:$0x3] =	sbarrier.arrive $0xFFFF;
	s2 =	simm.s32 @!p0 $0x1C04  }
0x149: {  	[timem:s3], [sflag:s2] =	dma.local @!p0 [hbm:s0], s1  }
0x14a: {  	s0 =	simm.s32 @!p0 $0x4  }
0x14b: {  	_ =	swait.ge @!p0 [sflag:s0], s1  }
0x14c: {  	s1 =	ssub.s32 @!p0 $0x0, s1;
	[sflag:s0] =	ssyncset.done @!p0 $0x0  }
0x14d: {  	[sflag:s0] =	ssyncadd.s32 @!p0 s1  }
0x14e: {  	[bflag:$0x3] =	sbarrier.arrive $0xFFFF  }
0x14f: {  	_ =	shalt  }

</sc_bundles>
